<compile_context>
chip_gen: v7x
topology: tpu7x:2x2x1
jax: 0.10.2.dev20260603
libtpu: 0.0.44.dev20260713+nightly
codegen_flags: <defaults>
</compile_context>

<pallas_src>
import functools

import jax
import jax.numpy as jnp
from jax import lax
from jax.experimental import pallas as pl
from jax.experimental.pallas import tpu as pltpu
from jax.experimental.pallas import tpu_sc as plsc

B = 4096
V = 1000
D = 10000
DA = 9984
WL = 5120
WR = DA - WL
NC, NS = 2, 16
NW = NC * NS
BPW = B // NW
C = 8
NCH = BPW // C


def _gather_grid(table, tail_t, tokens_i32):
    mesh = plsc.VectorSubcoreMesh(core_axis_name="c", subcore_axis_name="s")

    @functools.partial(
        pl.kernel,
        out_type=jax.ShapeDtypeStruct((B, D), jnp.float32),
        mesh=mesh,
        compiler_params=pltpu.CompilerParams(use_tc_tiling_on_sc=True),
        scratch_types=[
            pltpu.VMEM((BPW,), jnp.int32),
            pltpu.VMEM((C, WL), jnp.float32),
            pltpu.VMEM((C, WR), jnp.float32),
            pltpu.VMEM((C, 128), jnp.float32),
            pltpu.VMEM((C, 16), jnp.float32),
            pltpu.SemaphoreType.DMA,
            pltpu.SemaphoreType.DMA,
            pltpu.SemaphoreType.DMA,
            pltpu.SemaphoreType.DMA,
        ],
    )
    def k(table_hbm, tail_hbm, idx_hbm, out_hbm, idx_v, bufL, bufR, tailg,
          tailbuf, gsemL, gsemR, osemL, osemR):
        wid = lax.axis_index("s") * NC + lax.axis_index("c")
        base = wid * BPW
        pltpu.sync_copy(idx_hbm.at[pl.ds(base, BPW)], idx_v)

        def gatherL(c):
            return pltpu.make_async_copy(
                table_hbm.at[idx_v.at[pl.ds(c * C, C)], pl.ds(0, WL)],
                bufL, gsemL,
            )

        def gatherR(c):
            return pltpu.make_async_copy(
                table_hbm.at[idx_v.at[pl.ds(c * C, C)], pl.ds(WL, WR)],
                bufR, gsemR,
            )

        def gatherT(c):
            return pltpu.make_async_copy(
                tail_hbm.at[idx_v.at[pl.ds(c * C, C)]], tailg, gsemR
            )

        def wbL(c):
            return pltpu.make_async_copy(
                bufL, out_hbm.at[pl.ds(base + c * C, C), pl.ds(0, WL)], osemL
            )

        def wbR(c):
            return pltpu.make_async_copy(
                bufR, out_hbm.at[pl.ds(base + c * C, C), pl.ds(WL, WR)], osemR
            )

        def wbTail(c):
            return pltpu.make_async_copy(
                tailbuf,
                out_hbm.at[pl.ds(base + c * C, C), pl.ds(DA, 16)],
                osemR,
            )

        def body(c, last):
            gatherL(c).wait()
            wbL(c).start()
            gatherR(c).start()
            gatherT(c).start()
            gatherR(c).wait()
            gatherT(c).wait()
            wbR(c).start()
            for r in range(C):
                tailbuf[r, :] = tailg[r, pl.ds(0, 16)]
            wbTail(c).start()
            if not last:
                wbL(c).wait()
                gatherL(c + 1).start()
            wbR(c).wait()
            wbTail(c).wait()

        gatherL(0).start()

        @pl.loop(0, NCH - 1)
        def _(c):
            body(c, last=False)

        body(NCH - 1, last=True)
        wbL(NCH - 1).wait()

    return k(table, tail_t, tokens_i32)


def kernel(tokens, hdc_vocab):
    tail_t = jnp.pad(hdc_vocab[:, DA:], ((0, 0), (0, 128 - (D - DA))))
    return _gather_grid(hdc_vocab, tail_t, tokens.astype(jnp.int32))

# --- scband reference (transcript-rebuilt; emitter-appended) ---
"""Pipeline reference for scband-hdcencoder-27410481283307 (READ-ONLY COPY).

The authoritative reference and input builder live on the scoring server;
editing this copy changes nothing except your own understanding.
"""

import jax, jax.numpy as jnp
import numpy as np

DIMENSIONS = 10000
SPARSITY = 0.05
VOCAB_SIZE = 1000


def setup_inputs(seed: int = 0) -> dict:
    key = jax.random.key(seed)
    k_tok, k_vocab = jax.random.split(key)
    tokens = jax.random.randint(k_tok, (4096,), 0, VOCAB_SIZE, dtype=jnp.int64 if jax.config.jax_enable_x64 else jnp.int32).astype(jnp.int32)
    # HDC vocabulary: binary vectors with ~SPARSITY fraction of active bits per row.
    u = jax.random.uniform(k_vocab, (VOCAB_SIZE, DIMENSIONS))
    hdc_vocab = (u < SPARSITY).astype(jnp.float32)
    return {"tokens": tokens, "hdc_vocab": hdc_vocab}


def reference(tokens, hdc_vocab):
    # Faithful translation of HDCEncoder.forward: per-token row lookup into the
    # HDC vocabulary table, stacked into a float32 matrix [B, DIMENSIONS].
    hdc_vectors = jnp.take(hdc_vocab, tokens, axis=0).astype(jnp.float32)
    return hdc_vectors

if __name__ == "__main__":
    import jax
    _d = setup_inputs()
    print(jax.jit(kernel)(*tuple(_d.values())))

</pallas_src>

<mosaic_0001>
#map = affine_map<(d0, d1) -> (0, 0)>
#map1 = affine_map<(d0, d1) -> (0)>
module attributes {stable_mosaic.version = 14 : i64} {
  func.func @k(%arg0: i32, %arg1: i32, %arg2: memref<1000x10000xf32, #tpu.memory_space<hbm>>, %arg3: memref<1000x128xf32, #tpu.memory_space<hbm>>, %arg4: memref<4096xi32, #tpu.memory_space<hbm>>, %arg5: memref<4096x10000xf32, #tpu.memory_space<hbm>>, %arg6: memref<128xi32, #tpu.memory_space<vmem>>, %arg7: memref<8x5120xf32, #tpu.memory_space<vmem>>, %arg8: memref<8x4864xf32, #tpu.memory_space<vmem>>, %arg9: memref<8x128xf32, #tpu.memory_space<vmem>>, %arg10: memref<8x16xf32, #tpu.memory_space<vmem>>, %arg11: memref<!tpu.dma_semaphore, #tpu.memory_space<semaphore_mem>>, %arg12: memref<!tpu.dma_semaphore, #tpu.memory_space<semaphore_mem>>, %arg13: memref<!tpu.dma_semaphore, #tpu.memory_space<semaphore_mem>>, %arg14: memref<!tpu.dma_semaphore, #tpu.memory_space<semaphore_mem>>) attributes {dimension_semantics = [#tpu.dimension_semantics<core_parallel>, #tpu.dimension_semantics<subcore_parallel>], iteration_bounds = array<i64: 2, 16>, scalar_prefetch = 0 : i64, scratch_operands = 9 : i64, tpu.core_type = #tpu.core_type<sc_vector_subcore>, window_params = [{transform_indices = #map}, {transform_indices = #map}, {transform_indices = #map1}, {transform_indices = #map}]} {
    %mul3A = arith.constant 2 : i32
    %mul3A_0 = arith.muli %arg1, %mul3A : i32
    %add3A = arith.addi %mul3A_0, %arg0 : i32
    %mul3A_1 = arith.constant 128 : i32
    %mul3A_2 = arith.muli %add3A, %mul3A_1 : i32
    "tpu.region"() ({
      %run_scoped3A = tpu.sem_alloc : memref<!tpu.dma_semaphore, #tpu.memory_space<semaphore_mem>>
      %dma_start3A_157 = tpu.memref_slice %arg4[%mul3A_2] : memref<4096xi32, #tpu.memory_space<hbm>> -> memref<128xi32, #tpu.memory_space<hbm>>
      %dma_start3A_158 = tpu.memref_slice %arg4[%mul3A_2] : memref<4096xi32, #tpu.memory_space<hbm>> -> memref<128xi32, #tpu.memory_space<hbm>>
      tpu.enqueue_dma source(%dma_start3A_158 : memref<128xi32, #tpu.memory_space<hbm>>) target(%arg6 : memref<128xi32, #tpu.memory_space<vmem>>) target_semaphore(%run_scoped3A : memref<!tpu.dma_semaphore, #tpu.memory_space<semaphore_mem>>)
      %dma_wait3A_159 = tpu.memref_slice %arg4[%mul3A_2] : memref<4096xi32, #tpu.memory_space<hbm>> -> memref<128xi32, #tpu.memory_space<hbm>>
      %dma_wait3A_160 = tpu.memref_slice %arg4[%mul3A_2] : memref<4096xi32, #tpu.memory_space<hbm>> -> memref<128xi32, #tpu.memory_space<hbm>>
      tpu.wait_dma2 semaphore(%run_scoped3A : memref<!tpu.dma_semaphore, #tpu.memory_space<semaphore_mem>>) src(%dma_wait3A_160 : memref<128xi32, #tpu.memory_space<hbm>>) dst(%arg6 : memref<128xi32, #tpu.memory_space<vmem>>)
      tpu.yield
    }) : () -> ()
    %dma_start3A = arith.constant 0 : i32
    %dma_start3A_3 = tpu.memref_slice %arg6[%dma_start3A] : memref<128xi32, #tpu.memory_space<vmem>> -> memref<8xi32, #tpu.memory_space<vmem>>
    %dma_start3A_4 = arith.constant 0 : i32
    %dma_start3A_5 = arith.constant 0 : i32
    %dma_start3A_6 = tpu.memref_slice %arg2[%dma_start3A_4, %dma_start3A_5] : memref<1000x10000xf32, #tpu.memory_space<hbm>> -> memref<1000x5120xf32, #tpu.memory_space<hbm>>
    tpu.enqueue_indirect_dma source(%dma_start3A_6 : memref<1000x5120xf32, #tpu.memory_space<hbm>>) target(%arg7 : memref<8x5120xf32, #tpu.memory_space<vmem>>) offsets(%dma_start3A_3 : memref<8xi32, #tpu.memory_space<vmem>>) semaphore(%arg11 : memref<!tpu.dma_semaphore, #tpu.memory_space<semaphore_mem>>)
    %scan3A = arith.constant 0 : i32
    %scan3A_7 = arith.constant 15 : i32
    %scan3A_8 = arith.addi %scan3A, %scan3A_7 : i32
    %scan3A_9 = arith.constant 1 : i32
    scf.for %scan3A_157 = %scan3A to %scan3A_8 step %scan3A_9  : i32 {
      %mul3A_158 = arith.constant 1 : i32
      %mul3A_159 = arith.muli %scan3A_157, %mul3A_158 : i32
      %add3A_160 = arith.constant 0 : i32
      %add3A_161 = arith.addi %add3A_160, %mul3A_159 : i32
      %mul3A_162 = arith.constant 8 : i32
      %mul3A_163 = arith.muli %add3A_161, %mul3A_162 : i32
      %dma_wait3A_164 = tpu.memref_slice %arg6[%mul3A_163] : memref<128xi32, #tpu.memory_space<vmem>> -> memref<8xi32, #tpu.memory_space<vmem>>
      %dma_wait3A_165 = arith.constant 0 : i32
      %dma_wait3A_166 = arith.constant 0 : i32
      %dma_wait3A_167 = tpu.memref_slice %arg2[%dma_wait3A_165, %dma_wait3A_166] : memref<1000x10000xf32, #tpu.memory_space<hbm>> -> memref<1000x5120xf32, #tpu.memory_space<hbm>>
      tpu.wait_indirect_dma semaphore(%arg11 : memref<!tpu.dma_semaphore, #tpu.memory_space<semaphore_mem>>) src(%dma_wait3A_167 : memref<1000x5120xf32, #tpu.memory_space<hbm>>) dst(%arg7 : memref<8x5120xf32, #tpu.memory_space<vmem>>)
      %mul3A_168 = arith.constant 8 : i32
      %mul3A_169 = arith.muli %add3A_161, %mul3A_168 : i32
      %add3A_170 = arith.addi %mul3A_2, %mul3A_169 : i32
      %dma_start3A_171 = arith.constant 0 : i32
      %dma_start3A_172 = tpu.memref_slice %arg5[%add3A_170, %dma_start3A_171] : memref<4096x10000xf32, #tpu.memory_space<hbm>> -> memref<8x5120xf32, #tpu.memory_space<hbm>>
      %dma_start3A_173 = arith.constant 0 : i32
      %dma_start3A_174 = tpu.memref_slice %arg5[%add3A_170, %dma_start3A_173] : memref<4096x10000xf32, #tpu.memory_space<hbm>> -> memref<8x5120xf32, #tpu.memory_space<hbm>>
      tpu.enqueue_dma source(%arg7 : memref<8x5120xf32, #tpu.memory_space<vmem>>) target(%dma_start3A_174 : memref<8x5120xf32, #tpu.memory_space<hbm>>) target_semaphore(%arg13 : memref<!tpu.dma_semaphore, #tpu.memory_space<semaphore_mem>>)
      %mul3A_175 = arith.constant 8 : i32
      %mul3A_176 = arith.muli %add3A_161, %mul3A_175 : i32
      %dma_start3A_177 = tpu.memref_slice %arg6[%mul3A_176] : memref<128xi32, #tpu.memory_space<vmem>> -> memref<8xi32, #tpu.memory_space<vmem>>
      %dma_start3A_178 = arith.constant 0 : i32
      %dma_start3A_179 = arith.constant 5120 : i32
      %dma_start3A_180 = tpu.memref_slice %arg2[%dma_start3A_178, %dma_start3A_179] : memref<1000x10000xf32, #tpu.memory_space<hbm>> -> memref<1000x4864xf32, #tpu.memory_space<hbm>>
      tpu.enqueue_indirect_dma source(%dma_start3A_180 : memref<1000x4864xf32, #tpu.memory_space<hbm>>) target(%arg8 : memref<8x4864xf32, #tpu.memory_space<vmem>>) offsets(%dma_start3A_177 : memref<8xi32, #tpu.memory_space<vmem>>) semaphore(%arg12 : memref<!tpu.dma_semaphore, #tpu.memory_space<semaphore_mem>>)
      %mul3A_181 = arith.constant 8 : i32
      %mul3A_182 = arith.muli %add3A_161, %mul3A_181 : i32
      %dma_start3A_183 = tpu.memref_slice %arg6[%mul3A_182] : memref<128xi32, #tpu.memory_space<vmem>> -> memref<8xi32, #tpu.memory_space<vmem>>
      %dma_start3A_184 = arith.constant 0 : i32
      %dma_start3A_185 = arith.constant 0 : i32
      %dma_start3A_186 = tpu.memref_slice %arg3[%dma_start3A_184, %dma_start3A_185] : memref<1000x128xf32, #tpu.memory_space<hbm>> -> memref<1000x128xf32, #tpu.memory_space<hbm>>
      tpu.enqueue_indirect_dma source(%dma_start3A_186 : memref<1000x128xf32, #tpu.memory_space<hbm>>) target(%arg9 : memref<8x128xf32, #tpu.memory_space<vmem>>) offsets(%dma_start3A_183 : memref<8xi32, #tpu.memory_space<vmem>>) semaphore(%arg12 : memref<!tpu.dma_semaphore, #tpu.memory_space<semaphore_mem>>)
      %mul3A_187 = arith.constant 8 : i32
      %mul3A_188 = arith.muli %add3A_161, %mul3A_187 : i32
      %dma_wait3A_189 = tpu.memref_slice %arg6[%mul3A_188] : memref<128xi32, #tpu.memory_space<vmem>> -> memref<8xi32, #tpu.memory_space<vmem>>
      %dma_wait3A_190 = arith.constant 0 : i32
      %dma_wait3A_191 = arith.constant 5120 : i32
      %dma_wait3A_192 = tpu.memref_slice %arg2[%dma_wait3A_190, %dma_wait3A_191] : memref<1000x10000xf32, #tpu.memory_space<hbm>> -> memref<1000x4864xf32, #tpu.memory_space<hbm>>
      tpu.wait_indirect_dma semaphore(%arg12 : memref<!tpu.dma_semaphore, #tpu.memory_space<semaphore_mem>>) src(%dma_wait3A_192 : memref<1000x4864xf32, #tpu.memory_space<hbm>>) dst(%arg8 : memref<8x4864xf32, #tpu.memory_space<vmem>>)
      %mul3A_193 = arith.constant 8 : i32
      %mul3A_194 = arith.muli %add3A_161, %mul3A_193 : i32
      %dma_wait3A_195 = tpu.memref_slice %arg6[%mul3A_194] : memref<128xi32, #tpu.memory_space<vmem>> -> memref<8xi32, #tpu.memory_space<vmem>>
      %dma_wait3A_196 = arith.constant 0 : i32
      %dma_wait3A_197 = arith.constant 0 : i32
      %dma_wait3A_198 = tpu.memref_slice %arg3[%dma_wait3A_196, %dma_wait3A_197] : memref<1000x128xf32, #tpu.memory_space<hbm>> -> memref<1000x128xf32, #tpu.memory_space<hbm>>
      tpu.wait_indirect_dma semaphore(%arg12 : memref<!tpu.dma_semaphore, #tpu.memory_space<semaphore_mem>>) src(%dma_wait3A_198 : memref<1000x128xf32, #tpu.memory_space<hbm>>) dst(%arg9 : memref<8x128xf32, #tpu.memory_space<vmem>>)
      %mul3A_199 = arith.constant 8 : i32
      %mul3A_200 = arith.muli %add3A_161, %mul3A_199 : i32
      %add3A_201 = arith.addi %mul3A_2, %mul3A_200 : i32
      %dma_start3A_202 = arith.constant 5120 : i32
      %dma_start3A_203 = tpu.memref_slice %arg5[%add3A_201, %dma_start3A_202] : memref<4096x10000xf32, #tpu.memory_space<hbm>> -> memref<8x4864xf32, #tpu.memory_space<hbm>>
      %dma_start3A_204 = arith.constant 5120 : i32
      %dma_start3A_205 = tpu.memref_slice %arg5[%add3A_201, %dma_start3A_204] : memref<4096x10000xf32, #tpu.memory_space<hbm>> -> memref<8x4864xf32, #tpu.memory_space<hbm>>
      tpu.enqueue_dma source(%arg8 : memref<8x4864xf32, #tpu.memory_space<vmem>>) target(%dma_start3A_205 : memref<8x4864xf32, #tpu.memory_space<hbm>>) target_semaphore(%arg14 : memref<!tpu.dma_semaphore, #tpu.memory_space<semaphore_mem>>)
      %get3A_206 = arith.constant 0 : i32
      %get3A_207 = arith.index_cast %get3A_206 : i32 to index
      %get3A_208 = arith.constant 0 : index
      %get3A_209 = tpu.vector_load %arg9[%get3A_207, %get3A_208] {strides = array<i32>} : memref<8x128xf32, #tpu.memory_space<vmem>>, vector<1x16xf32>,
      %get3A_210 = vector.shape_cast %get3A_209 : vector<1x16xf32> to vector<16xf32>
      %swap3A_211 = arith.constant 0 : i32
      %swap3A_212 = arith.index_cast %swap3A_211 : i32 to index
      %swap3A_213 = arith.constant 0 : index
      %swap3A_214 = tpu.vector_load %arg10[%swap3A_212, %swap3A_213] {strides = array<i32>} : memref<8x16xf32, #tpu.memory_space<vmem>>, vector<1x16xf32>,
      %swap3A_215 = vector.shape_cast %swap3A_214 : vector<1x16xf32> to vector<16xf32>
      %swap3A_216 = vector.shape_cast %get3A_210 : vector<16xf32> to vector<1x16xf32>
      tpu.vector_store %arg10[%swap3A_212, %swap3A_213], %swap3A_216 {strides = array<i32>} : memref<8x16xf32, #tpu.memory_space<vmem>>, vector<1x16xf32>,
      %get3A_217 = arith.constant 1 : i32
      %get3A_218 = arith.index_cast %get3A_217 : i32 to index
      %get3A_219 = arith.constant 0 : index
      %get3A_220 = tpu.vector_load %arg9[%get3A_218, %get3A_219] {strides = array<i32>} : memref<8x128xf32, #tpu.memory_space<vmem>>, vector<1x16xf32>,
      %get3A_221 = vector.shape_cast %get3A_220 : vector<1x16xf32> to vector<16xf32>
      %swap3A_222 = arith.constant 1 : i32
      %swap3A_223 = arith.index_cast %swap3A_222 : i32 to index
      %swap3A_224 = arith.constant 0 : index
      %swap3A_225 = tpu.vector_load %arg10[%swap3A_223, %swap3A_224] {strides = array<i32>} : memref<8x16xf32, #tpu.memory_space<vmem>>, vector<1x16xf32>,
      %swap3A_226 = vector.shape_cast %swap3A_225 : vector<1x16xf32> to vector<16xf32>
      %swap3A_227 = vector.shape_cast %get3A_221 : vector<16xf32> to vector<1x16xf32>
      tpu.vector_store %arg10[%swap3A_223, %swap3A_224], %swap3A_227 {strides = array<i32>} : memref<8x16xf32, #tpu.memory_space<vmem>>, vector<1x16xf32>,
      %get3A_228 = arith.constant 2 : i32
      %get3A_229 = arith.index_cast %get3A_228 : i32 to index
      %get3A_230 = arith.constant 0 : index
      %get3A_231 = tpu.vector_load %arg9[%get3A_229, %get3A_230] {strides = array<i32>} : memref<8x128xf32, #tpu.memory_space<vmem>>, vector<1x16xf32>,
      %get3A_232 = vector.shape_cast %get3A_231 : vector<1x16xf32> to vector<16xf32>
      %swap3A_233 = arith.constant 2 : i32
      %swap3A_234 = arith.index_cast %swap3A_233 : i32 to index
      %swap3A_235 = arith.constant 0 : index
      %swap3A_236 = tpu.vector_load %arg10[%swap3A_234, %swap3A_235] {strides = array<i32>} : memref<8x16xf32, #tpu.memory_space<vmem>>, vector<1x16xf32>,
      %swap3A_237 = vector.shape_cast %swap3A_236 : vector<1x16xf32> to vector<16xf32>
      %swap3A_238 = vector.shape_cast %get3A_232 : vector<16xf32> to vector<1x16xf32>
      tpu.vector_store %arg10[%swap3A_234, %swap3A_235], %swap3A_238 {strides = array<i32>} : memref<8x16xf32, #tpu.memory_space<vmem>>, vector<1x16xf32>,
      %get3A_239 = arith.constant 3 : i32
      %get3A_240 = arith.index_cast %get3A_239 : i32 to index
      %get3A_241 = arith.constant 0 : index
      %get3A_242 = tpu.vector_load %arg9[%get3A_240, %get3A_241] {strides = array<i32>} : memref<8x128xf32, #tpu.memory_space<vmem>>, vector<1x16xf32>,
      %get3A_243 = vector.shape_cast %get3A_242 : vector<1x16xf32> to vector<16xf32>
      %swap3A_244 = arith.constant 3 : i32
      %swap3A_245 = arith.index_cast %swap3A_244 : i32 to index
      %swap3A_246 = arith.constant 0 : index
      %swap3A_247 = tpu.vector_load %arg10[%swap3A_245, %swap3A_246] {strides = array<i32>} : memref<8x16xf32, #tpu.memory_space<vmem>>, vector<1x16xf32>,
      %swap3A_248 = vector.shape_cast %swap3A_247 : vector<1x16xf32> to vector<16xf32>
      %swap3A_249 = vector.shape_cast %get3A_243 : vector<16xf32> to vector<1x16xf32>
      tpu.vector_store %arg10[%swap3A_245, %swap3A_246], %swap3A_249 {strides = array<i32>} : memref<8x16xf32, #tpu.memory_space<vmem>>, vector<1x16xf32>,
      %get3A_250 = arith.constant 4 : i32
      %get3A_251 = arith.index_cast %get3A_250 : i32 to index
      %get3A_252 = arith.constant 0 : index
      %get3A_253 = tpu.vector_load %arg9[%get3A_251, %get3A_252] {strides = array<i32>} : memref<8x128xf32, #tpu.memory_space<vmem>>, vector<1x16xf32>,
      %get3A_254 = vector.shape_cast %get3A_253 : vector<1x16xf32> to vector<16xf32>
      %swap3A_255 = arith.constant 4 : i32
      %swap3A_256 = arith.index_cast %swap3A_255 : i32 to index
      %swap3A_257 = arith.constant 0 : index
      %swap3A_258 = tpu.vector_load %arg10[%swap3A_256, %swap3A_257] {strides = array<i32>} : memref<8x16xf32, #tpu.memory_space<vmem>>, vector<1x16xf32>,
      %swap3A_259 = vector.shape_cast %swap3A_258 : vector<1x16xf32> to vector<16xf32>
      %swap3A_260 = vector.shape_cast %get3A_254 : vector<16xf32> to vector<1x16xf32>
      tpu.vector_store %arg10[%swap3A_256, %swap3A_257], %swap3A_260 {strides = array<i32>} : memref<8x16xf32, #tpu.memory_space<vmem>>, vector<1x16xf32>,
      %get3A_261 = arith.constant 5 : i32
      %get3A_262 = arith.index_cast %get3A_261 : i32 to index
      %get3A_263 = arith.constant 0 : index
      %get3A_264 = tpu.vector_load %arg9[%get3A_262, %get3A_263] {strides = array<i32>} : memref<8x128xf32, #tpu.memory_space<vmem>>, vector<1x16xf32>,
      %get3A_265 = vector.shape_cast %get3A_264 : vector<1x16xf32> to vector<16xf32>
      %swap3A_266 = arith.constant 5 : i32
      %swap3A_267 = arith.index_cast %swap3A_266 : i32 to index
      %swap3A_268 = arith.constant 0 : index
      %swap3A_269 = tpu.vector_load %arg10[%swap3A_267, %swap3A_268] {strides = array<i32>} : memref<8x16xf32, #tpu.memory_space<vmem>>, vector<1x16xf32>,
      %swap3A_270 = vector.shape_cast %swap3A_269 : vector<1x16xf32> to vector<16xf32>
      %swap3A_271 = vector.shape_cast %get3A_265 : vector<16xf32> to vector<1x16xf32>
      tpu.vector_store %arg10[%swap3A_267, %swap3A_268], %swap3A_271 {strides = array<i32>} : memref<8x16xf32, #tpu.memory_space<vmem>>, vector<1x16xf32>,
      %get3A_272 = arith.constant 6 : i32
      %get3A_273 = arith.index_cast %get3A_272 : i32 to index
      %get3A_274 = arith.constant 0 : index
      %get3A_275 = tpu.vector_load %arg9[%get3A_273, %get3A_274] {strides = array<i32>} : memref<8x128xf32, #tpu.memory_space<vmem>>, vector<1x16xf32>,
      %get3A_276 = vector.shape_cast %get3A_275 : vector<1x16xf32> to vector<16xf32>
      %swap3A_277 = arith.constant 6 : i32
      %swap3A_278 = arith.index_cast %swap3A_277 : i32 to index
      %swap3A_279 = arith.constant 0 : index
      %swap3A_280 = tpu.vector_load %arg10[%swap3A_278, %swap3A_279] {strides = array<i32>} : memref<8x16xf32, #tpu.memory_space<vmem>>, vector<1x16xf32>,
      %swap3A_281 = vector.shape_cast %swap3A_280 : vector<1x16xf32> to vector<16xf32>
      %swap3A_282 = vector.shape_cast %get3A_276 : vector<16xf32> to vector<1x16xf32>
      tpu.vector_store %arg10[%swap3A_278, %swap3A_279], %swap3A_282 {strides = array<i32>} : memref<8x16xf32, #tpu.memory_space<vmem>>, vector<1x16xf32>,
      %get3A_283 = arith.constant 7 : i32
      %get3A_284 = arith.index_cast %get3A_283 : i32 to index
      %get3A_285 = arith.constant 0 : index
      %get3A_286 = tpu.vector_load %arg9[%get3A_284, %get3A_285] {strides = array<i32>} : memref<8x128xf32, #tpu.memory_space<vmem>>, vector<1x16xf32>,
      %get3A_287 = vector.shape_cast %get3A_286 : vector<1x16xf32> to vector<16xf32>
      %swap3A_288 = arith.constant 7 : i32
      %swap3A_289 = arith.index_cast %swap3A_288 : i32 to index
      %swap3A_290 = arith.constant 0 : index
      %swap3A_291 = tpu.vector_load %arg10[%swap3A_289, %swap3A_290] {strides = array<i32>} : memref<8x16xf32, #tpu.memory_space<vmem>>, vector<1x16xf32>,
      %swap3A_292 = vector.shape_cast %swap3A_291 : vector<1x16xf32> to vector<16xf32>
      %swap3A_293 = vector.shape_cast %get3A_287 : vector<16xf32> to vector<1x16xf32>
      tpu.vector_store %arg10[%swap3A_289, %swap3A_290], %swap3A_293 {strides = array<i32>} : memref<8x16xf32, #tpu.memory_space<vmem>>, vector<1x16xf32>,
      %mul3A_294 = arith.constant 8 : i32
      %mul3A_295 = arith.muli %add3A_161, %mul3A_294 : i32
      %add3A_296 = arith.addi %mul3A_2, %mul3A_295 : i32
      %dma_start3A_297 = arith.constant 9984 : i32
      %dma_start3A_298 = tpu.memref_slice %arg5[%add3A_296, %dma_start3A_297] : memref<4096x10000xf32, #tpu.memory_space<hbm>> -> memref<8x16xf32, #tpu.memory_space<hbm>>
      %dma_start3A_299 = arith.constant 9984 : i32
      %dma_start3A_300 = tpu.memref_slice %arg5[%add3A_296, %dma_start3A_299] : memref<4096x10000xf32, #tpu.memory_space<hbm>> -> memref<8x16xf32, #tpu.memory_space<hbm>>
      tpu.enqueue_dma source(%arg10 : memref<8x16xf32, #tpu.memory_space<vmem>>) target(%dma_start3A_300 : memref<8x16xf32, #tpu.memory_space<hbm>>) target_semaphore(%arg14 : memref<!tpu.dma_semaphore, #tpu.memory_space<semaphore_mem>>)
      %mul3A_301 = arith.constant 8 : i32
      %mul3A_302 = arith.muli %add3A_161, %mul3A_301 : i32
      %add3A_303 = arith.addi %mul3A_2, %mul3A_302 : i32
      %dma_wait3A_304 = arith.constant 0 : i32
      %dma_wait3A_305 = tpu.memref_slice %arg5[%add3A_303, %dma_wait3A_304] : memref<4096x10000xf32, #tpu.memory_space<hbm>> -> memref<8x5120xf32, #tpu.memory_space<hbm>>
      %dma_wait3A_306 = arith.constant 0 : i32
      %dma_wait3A_307 = tpu.memref_slice %arg5[%add3A_303, %dma_wait3A_306] : memref<4096x10000xf32, #tpu.memory_space<hbm>> -> memref<8x5120xf32, #tpu.memory_space<hbm>>
      tpu.wait_dma2 semaphore(%arg13 : memref<!tpu.dma_semaphore, #tpu.memory_space<semaphore_mem>>) src(%arg7 : memref<8x5120xf32, #tpu.memory_space<vmem>>) dst(%dma_wait3A_307 : memref<8x5120xf32, #tpu.memory_space<hbm>>)
      %add3A_308 = arith.constant 1 : i32
      %add3A_309 = arith.addi %add3A_161, %add3A_308 : i32
      %mul3A_310 = arith.constant 8 : i32
      %mul3A_311 = arith.muli %add3A_309, %mul3A_310 : i32
      %dma_start3A_312 = tpu.memref_slice %arg6[%mul3A_311] : memref<128xi32, #tpu.memory_space<vmem>> -> memref<8xi32, #tpu.memory_space<vmem>>
      %dma_start3A_313 = arith.constant 0 : i32
      %dma_start3A_314 = arith.constant 0 : i32
      %dma_start3A_315 = tpu.memref_slice %arg2[%dma_start3A_313, %dma_start3A_314] : memref<1000x10000xf32, #tpu.memory_space<hbm>> -> memref<1000x5120xf32, #tpu.memory_space<hbm>>
      tpu.enqueue_indirect_dma source(%dma_start3A_315 : memref<1000x5120xf32, #tpu.memory_space<hbm>>) target(%arg7 : memref<8x5120xf32, #tpu.memory_space<vmem>>) offsets(%dma_start3A_312 : memref<8xi32, #tpu.memory_space<vmem>>) semaphore(%arg11 : memref<!tpu.dma_semaphore, #tpu.memory_space<semaphore_mem>>)
      %mul3A_316 = arith.constant 8 : i32
      %mul3A_317 = arith.muli %add3A_161, %mul3A_316 : i32
      %add3A_318 = arith.addi %mul3A_2, %mul3A_317 : i32
      %dma_wait3A_319 = arith.constant 5120 : i32
      %dma_wait3A_320 = tpu.memref_slice %arg5[%add3A_318, %dma_wait3A_319] : memref<4096x10000xf32, #tpu.memory_space<hbm>> -> memref<8x4864xf32, #tpu.memory_space<hbm>>
      %dma_wait3A_321 = arith.constant 5120 : i32
      %dma_wait3A_322 = tpu.memref_slice %arg5[%add3A_318, %dma_wait3A_321] : memref<4096x10000xf32, #tpu.memory_space<hbm>> -> memref<8x4864xf32, #tpu.memory_space<hbm>>
      tpu.wait_dma2 semaphore(%arg14 : memref<!tpu.dma_semaphore, #tpu.memory_space<semaphore_mem>>) src(%arg8 : memref<8x4864xf32, #tpu.memory_space<vmem>>) dst(%dma_wait3A_322 : memref<8x4864xf32, #tpu.memory_space<hbm>>)
      %mul3A_323 = arith.constant 8 : i32
      %mul3A_324 = arith.muli %add3A_161, %mul3A_323 : i32
      %add3A_325 = arith.addi %mul3A_2, %mul3A_324 : i32
      %dma_wait3A_326 = arith.constant 9984 : i32
      %dma_wait3A_327 = tpu.memref_slice %arg5[%add3A_325, %dma_wait3A_326] : memref<4096x10000xf32, #tpu.memory_space<hbm>> -> memref<8x16xf32, #tpu.memory_space<hbm>>
      %dma_wait3A_328 = arith.constant 9984 : i32
      %dma_wait3A_329 = tpu.memref_slice %arg5[%add3A_325, %dma_wait3A_328] : memref<4096x10000xf32, #tpu.memory_space<hbm>> -> memref<8x16xf32, #tpu.memory_space<hbm>>
      tpu.wait_dma2 semaphore(%arg14 : memref<!tpu.dma_semaphore, #tpu.memory_space<semaphore_mem>>) src(%arg10 : memref<8x16xf32, #tpu.memory_space<vmem>>) dst(%dma_wait3A_329 : memref<8x16xf32, #tpu.memory_space<hbm>>)
    }
    %scan3A_10 = arith.constant 15 : i32
    %dma_wait3A = arith.constant 120 : i32
    %dma_wait3A_11 = tpu.memref_slice %arg6[%dma_wait3A] : memref<128xi32, #tpu.memory_space<vmem>> -> memref<8xi32, #tpu.memory_space<vmem>>
    %dma_wait3A_12 = arith.constant 0 : i32
    %dma_wait3A_13 = arith.constant 0 : i32
    %dma_wait3A_14 = tpu.memref_slice %arg2[%dma_wait3A_12, %dma_wait3A_13] : memref<1000x10000xf32, #tpu.memory_space<hbm>> -> memref<1000x5120xf32, #tpu.memory_space<hbm>>
    tpu.wait_indirect_dma semaphore(%arg11 : memref<!tpu.dma_semaphore, #tpu.memory_space<semaphore_mem>>) src(%dma_wait3A_14 : memref<1000x5120xf32, #tpu.memory_space<hbm>>) dst(%arg7 : memref<8x5120xf32, #tpu.memory_space<vmem>>)
    %add3A_15 = arith.constant 120 : i32
    %add3A_16 = arith.addi %mul3A_2, %add3A_15 : i32
    %dma_start3A_17 = arith.constant 0 : i32
    %dma_start3A_18 = tpu.memref_slice %arg5[%add3A_16, %dma_start3A_17] : memref<4096x10000xf32, #tpu.memory_space<hbm>> -> memref<8x5120xf32, #tpu.memory_space<hbm>>
    %dma_start3A_19 = arith.constant 0 : i32
    %dma_start3A_20 = tpu.memref_slice %arg5[%add3A_16, %dma_start3A_19] : memref<4096x10000xf32, #tpu.memory_space<hbm>> -> memref<8x5120xf32, #tpu.memory_space<hbm>>
    tpu.enqueue_dma source(%arg7 : memref<8x5120xf32, #tpu.memory_space<vmem>>) target(%dma_start3A_20 : memref<8x5120xf32, #tpu.memory_space<hbm>>) target_semaphore(%arg13 : memref<!tpu.dma_semaphore, #tpu.memory_space<semaphore_mem>>)
    %dma_start3A_21 = arith.constant 120 : i32
    %dma_start3A_22 = tpu.memref_slice %arg6[%dma_start3A_21] : memref<128xi32, #tpu.memory_space<vmem>> -> memref<8xi32, #tpu.memory_space<vmem>>
    %dma_start3A_23 = arith.constant 0 : i32
    %dma_start3A_24 = arith.constant 5120 : i32
    %dma_start3A_25 = tpu.memref_slice %arg2[%dma_start3A_23, %dma_start3A_24] : memref<1000x10000xf32, #tpu.memory_space<hbm>> -> memref<1000x4864xf32, #tpu.memory_space<hbm>>
    tpu.enqueue_indirect_dma source(%dma_start3A_25 : memref<1000x4864xf32, #tpu.memory_space<hbm>>) target(%arg8 : memref<8x4864xf32, #tpu.memory_space<vmem>>) offsets(%dma_start3A_22 : memref<8xi32, #tpu.memory_space<vmem>>) semaphore(%arg12 : memref<!tpu.dma_semaphore, #tpu.memory_space<semaphore_mem>>)
    %dma_start3A_26 = arith.constant 120 : i32
    %dma_start3A_27 = tpu.memref_slice %arg6[%dma_start3A_26] : memref<128xi32, #tpu.memory_space<vmem>> -> memref<8xi32, #tpu.memory_space<vmem>>
    %dma_start3A_28 = arith.constant 0 : i32
    %dma_start3A_29 = arith.constant 0 : i32
    %dma_start3A_30 = tpu.memref_slice %arg3[%dma_start3A_28, %dma_start3A_29] : memref<1000x128xf32, #tpu.memory_space<hbm>> -> memref<1000x128xf32, #tpu.memory_space<hbm>>
    tpu.enqueue_indirect_dma source(%dma_start3A_30 : memref<1000x128xf32, #tpu.memory_space<hbm>>) target(%arg9 : memref<8x128xf32, #tpu.memory_space<vmem>>) offsets(%dma_start3A_27 : memref<8xi32, #tpu.memory_space<vmem>>) semaphore(%arg12 : memref<!tpu.dma_semaphore, #tpu.memory_space<semaphore_mem>>)
    %dma_wait3A_31 = arith.constant 120 : i32
    %dma_wait3A_32 = tpu.memref_slice %arg6[%dma_wait3A_31] : memref<128xi32, #tpu.memory_space<vmem>> -> memref<8xi32, #tpu.memory_space<vmem>>
    %dma_wait3A_33 = arith.constant 0 : i32
    %dma_wait3A_34 = arith.constant 5120 : i32
    %dma_wait3A_35 = tpu.memref_slice %arg2[%dma_wait3A_33, %dma_wait3A_34] : memref<1000x10000xf32, #tpu.memory_space<hbm>> -> memref<1000x4864xf32, #tpu.memory_space<hbm>>
    tpu.wait_indirect_dma semaphore(%arg12 : memref<!tpu.dma_semaphore, #tpu.memory_space<semaphore_mem>>) src(%dma_wait3A_35 : memref<1000x4864xf32, #tpu.memory_space<hbm>>) dst(%arg8 : memref<8x4864xf32, #tpu.memory_space<vmem>>)
    %dma_wait3A_36 = arith.constant 120 : i32
    %dma_wait3A_37 = tpu.memref_slice %arg6[%dma_wait3A_36] : memref<128xi32, #tpu.memory_space<vmem>> -> memref<8xi32, #tpu.memory_space<vmem>>
    %dma_wait3A_38 = arith.constant 0 : i32
    %dma_wait3A_39 = arith.constant 0 : i32
    %dma_wait3A_40 = tpu.memref_slice %arg3[%dma_wait3A_38, %dma_wait3A_39] : memref<1000x128xf32, #tpu.memory_space<hbm>> -> memref<1000x128xf32, #tpu.memory_space<hbm>>
    tpu.wait_indirect_dma semaphore(%arg12 : memref<!tpu.dma_semaphore, #tpu.memory_space<semaphore_mem>>) src(%dma_wait3A_40 : memref<1000x128xf32, #tpu.memory_space<hbm>>) dst(%arg9 : memref<8x128xf32, #tpu.memory_space<vmem>>)
    %add3A_41 = arith.constant 120 : i32
    %add3A_42 = arith.addi %mul3A_2, %add3A_41 : i32
    %dma_start3A_43 = arith.constant 5120 : i32
    %dma_start3A_44 = tpu.memref_slice %arg5[%add3A_42, %dma_start3A_43] : memref<4096x10000xf32, #tpu.memory_space<hbm>> -> memref<8x4864xf32, #tpu.memory_space<hbm>>
    %dma_start3A_45 = arith.constant 5120 : i32
    %dma_start3A_46 = tpu.memref_slice %arg5[%add3A_42, %dma_start3A_45] : memref<4096x10000xf32, #tpu.memory_space<hbm>> -> memref<8x4864xf32, #tpu.memory_space<hbm>>
    tpu.enqueue_dma source(%arg8 : memref<8x4864xf32, #tpu.memory_space<vmem>>) target(%dma_start3A_46 : memref<8x4864xf32, #tpu.memory_space<hbm>>) target_semaphore(%arg14 : memref<!tpu.dma_semaphore, #tpu.memory_space<semaphore_mem>>)
    %get3A = arith.constant 0 : i32
    %get3A_47 = arith.index_cast %get3A : i32 to index
    %get3A_48 = arith.constant 0 : index
    %get3A_49 = tpu.vector_load %arg9[%get3A_47, %get3A_48] {strides = array<i32>} : memref<8x128xf32, #tpu.memory_space<vmem>>, vector<1x16xf32>,
    %get3A_50 = vector.shape_cast %get3A_49 : vector<1x16xf32> to vector<16xf32>
    %swap3A = arith.constant 0 : i32
    %swap3A_51 = arith.index_cast %swap3A : i32 to index
    %swap3A_52 = arith.constant 0 : index
    %swap3A_53 = tpu.vector_load %arg10[%swap3A_51, %swap3A_52] {strides = array<i32>} : memref<8x16xf32, #tpu.memory_space<vmem>>, vector<1x16xf32>,
    %swap3A_54 = vector.shape_cast %swap3A_53 : vector<1x16xf32> to vector<16xf32>
    %swap3A_55 = vector.shape_cast %get3A_50 : vector<16xf32> to vector<1x16xf32>
    tpu.vector_store %arg10[%swap3A_51, %swap3A_52], %swap3A_55 {strides = array<i32>} : memref<8x16xf32, #tpu.memory_space<vmem>>, vector<1x16xf32>,
    %get3A_56 = arith.constant 1 : i32
    %get3A_57 = arith.index_cast %get3A_56 : i32 to index
    %get3A_58 = arith.constant 0 : index
    %get3A_59 = tpu.vector_load %arg9[%get3A_57, %get3A_58] {strides = array<i32>} : memref<8x128xf32, #tpu.memory_space<vmem>>, vector<1x16xf32>,
    %get3A_60 = vector.shape_cast %get3A_59 : vector<1x16xf32> to vector<16xf32>
    %swap3A_61 = arith.constant 1 : i32
    %swap3A_62 = arith.index_cast %swap3A_61 : i32 to index
    %swap3A_63 = arith.constant 0 : index
    %swap3A_64 = tpu.vector_load %arg10[%swap3A_62, %swap3A_63] {strides = array<i32>} : memref<8x16xf32, #tpu.memory_space<vmem>>, vector<1x16xf32>,
    %swap3A_65 = vector.shape_cast %swap3A_64 : vector<1x16xf32> to vector<16xf32>
    %swap3A_66 = vector.shape_cast %get3A_60 : vector<16xf32> to vector<1x16xf32>
    tpu.vector_store %arg10[%swap3A_62, %swap3A_63], %swap3A_66 {strides = array<i32>} : memref<8x16xf32, #tpu.memory_space<vmem>>, vector<1x16xf32>,
    %get3A_67 = arith.constant 2 : i32
    %get3A_68 = arith.index_cast %get3A_67 : i32 to index
    %get3A_69 = arith.constant 0 : index
    %get3A_70 = tpu.vector_load %arg9[%get3A_68, %get3A_69] {strides = array<i32>} : memref<8x128xf32, #tpu.memory_space<vmem>>, vector<1x16xf32>,
    %get3A_71 = vector.shape_cast %get3A_70 : vector<1x16xf32> to vector<16xf32>
    %swap3A_72 = arith.constant 2 : i32
    %swap3A_73 = arith.index_cast %swap3A_72 : i32 to index
    %swap3A_74 = arith.constant 0 : index
    %swap3A_75 = tpu.vector_load %arg10[%swap3A_73, %swap3A_74] {strides = array<i32>} : memref<8x16xf32, #tpu.memory_space<vmem>>, vector<1x16xf32>,
    %swap3A_76 = vector.shape_cast %swap3A_75 : vector<1x16xf32> to vector<16xf32>
    %swap3A_77 = vector.shape_cast %get3A_71 : vector<16xf32> to vector<1x16xf32>
    tpu.vector_store %arg10[%swap3A_73, %swap3A_74], %swap3A_77 {strides = array<i32>} : memref<8x16xf32, #tpu.memory_space<vmem>>, vector<1x16xf32>,
    %get3A_78 = arith.constant 3 : i32
    %get3A_79 = arith.index_cast %get3A_78 : i32 to index
    %get3A_80 = arith.constant 0 : index
    %get3A_81 = tpu.vector_load %arg9[%get3A_79, %get3A_80] {strides = array<i32>} : memref<8x128xf32, #tpu.memory_space<vmem>>, vector<1x16xf32>,
    %get3A_82 = vector.shape_cast %get3A_81 : vector<1x16xf32> to vector<16xf32>
    %swap3A_83 = arith.constant 3 : i32
    %swap3A_84 = arith.index_cast %swap3A_83 : i32 to index
    %swap3A_85 = arith.constant 0 : index
    %swap3A_86 = tpu.vector_load %arg10[%swap3A_84, %swap3A_85] {strides = array<i32>} : memref<8x16xf32, #tpu.memory_space<vmem>>, vector<1x16xf32>,
    %swap3A_87 = vector.shape_cast %swap3A_86 : vector<1x16xf32> to vector<16xf32>
    %swap3A_88 = vector.shape_cast %get3A_82 : vector<16xf32> to vector<1x16xf32>
    tpu.vector_store %arg10[%swap3A_84, %swap3A_85], %swap3A_88 {strides = array<i32>} : memref<8x16xf32, #tpu.memory_space<vmem>>, vector<1x16xf32>,
    %get3A_89 = arith.constant 4 : i32
    %get3A_90 = arith.index_cast %get3A_89 : i32 to index
    %get3A_91 = arith.constant 0 : index
    %get3A_92 = tpu.vector_load %arg9[%get3A_90, %get3A_91] {strides = array<i32>} : memref<8x128xf32, #tpu.memory_space<vmem>>, vector<1x16xf32>,
    %get3A_93 = vector.shape_cast %get3A_92 : vector<1x16xf32> to vector<16xf32>
    %swap3A_94 = arith.constant 4 : i32
    %swap3A_95 = arith.index_cast %swap3A_94 : i32 to index
    %swap3A_96 = arith.constant 0 : index
    %swap3A_97 = tpu.vector_load %arg10[%swap3A_95, %swap3A_96] {strides = array<i32>} : memref<8x16xf32, #tpu.memory_space<vmem>>, vector<1x16xf32>,
    %swap3A_98 = vector.shape_cast %swap3A_97 : vector<1x16xf32> to vector<16xf32>
    %swap3A_99 = vector.shape_cast %get3A_93 : vector<16xf32> to vector<1x16xf32>
    tpu.vector_store %arg10[%swap3A_95, %swap3A_96], %swap3A_99 {strides = array<i32>} : memref<8x16xf32, #tpu.memory_space<vmem>>, vector<1x16xf32>,
    %get3A_100 = arith.constant 5 : i32
    %get3A_101 = arith.index_cast %get3A_100 : i32 to index
    %get3A_102 = arith.constant 0 : index
    %get3A_103 = tpu.vector_load %arg9[%get3A_101, %get3A_102] {strides = array<i32>} : memref<8x128xf32, #tpu.memory_space<vmem>>, vector<1x16xf32>,
    %get3A_104 = vector.shape_cast %get3A_103 : vector<1x16xf32> to vector<16xf32>
    %swap3A_105 = arith.constant 5 : i32
    %swap3A_106 = arith.index_cast %swap3A_105 : i32 to index
    %swap3A_107 = arith.constant 0 : index
    %swap3A_108 = tpu.vector_load %arg10[%swap3A_106, %swap3A_107] {strides = array<i32>} : memref<8x16xf32, #tpu.memory_space<vmem>>, vector<1x16xf32>,
    %swap3A_109 = vector.shape_cast %swap3A_108 : vector<1x16xf32> to vector<16xf32>
    %swap3A_110 = vector.shape_cast %get3A_104 : vector<16xf32> to vector<1x16xf32>
    tpu.vector_store %arg10[%swap3A_106, %swap3A_107], %swap3A_110 {strides = array<i32>} : memref<8x16xf32, #tpu.memory_space<vmem>>, vector<1x16xf32>,
    %get3A_111 = arith.constant 6 : i32
    %get3A_112 = arith.index_cast %get3A_111 : i32 to index
    %get3A_113 = arith.constant 0 : index
    %get3A_114 = tpu.vector_load %arg9[%get3A_112, %get3A_113] {strides = array<i32>} : memref<8x128xf32, #tpu.memory_space<vmem>>, vector<1x16xf32>,
    %get3A_115 = vector.shape_cast %get3A_114 : vector<1x16xf32> to vector<16xf32>
    %swap3A_116 = arith.constant 6 : i32
    %swap3A_117 = arith.index_cast %swap3A_116 : i32 to index
    %swap3A_118 = arith.constant 0 : index
    %swap3A_119 = tpu.vector_load %arg10[%swap3A_117, %swap3A_118] {strides = array<i32>} : memref<8x16xf32, #tpu.memory_space<vmem>>, vector<1x16xf32>,
    %swap3A_120 = vector.shape_cast %swap3A_119 : vector<1x16xf32> to vector<16xf32>
    %swap3A_121 = vector.shape_cast %get3A_115 : vector<16xf32> to vector<1x16xf32>
    tpu.vector_store %arg10[%swap3A_117, %swap3A_118], %swap3A_121 {strides = array<i32>} : memref<8x16xf32, #tpu.memory_space<vmem>>, vector<1x16xf32>,
    %get3A_122 = arith.constant 7 : i32
    %get3A_123 = arith.index_cast %get3A_122 : i32 to index
    %get3A_124 = arith.constant 0 : index
    %get3A_125 = tpu.vector_load %arg9[%get3A_123, %get3A_124] {strides = array<i32>} : memref<8x128xf32, #tpu.memory_space<vmem>>, vector<1x16xf32>,
    %get3A_126 = vector.shape_cast %get3A_125 : vector<1x16xf32> to vector<16xf32>
    %swap3A_127 = arith.constant 7 : i32
    %swap3A_128 = arith.index_cast %swap3A_127 : i32 to index
    %swap3A_129 = arith.constant 0 : index
    %swap3A_130 = tpu.vector_load %arg10[%swap3A_128, %swap3A_129] {strides = array<i32>} : memref<8x16xf32, #tpu.memory_space<vmem>>, vector<1x16xf32>,
    %swap3A_131 = vector.shape_cast %swap3A_130 : vector<1x16xf32> to vector<16xf32>
    %swap3A_132 = vector.shape_cast %get3A_126 : vector<16xf32> to vector<1x16xf32>
    tpu.vector_store %arg10[%swap3A_128, %swap3A_129], %swap3A_132 {strides = array<i32>} : memref<8x16xf32, #tpu.memory_space<vmem>>, vector<1x16xf32>,
    %add3A_133 = arith.constant 120 : i32
    %add3A_134 = arith.addi %mul3A_2, %add3A_133 : i32
    %dma_start3A_135 = arith.constant 9984 : i32
    %dma_start3A_136 = tpu.memref_slice %arg5[%add3A_134, %dma_start3A_135] : memref<4096x10000xf32, #tpu.memory_space<hbm>> -> memref<8x16xf32, #tpu.memory_space<hbm>>
    %dma_start3A_137 = arith.constant 9984 : i32
    %dma_start3A_138 = tpu.memref_slice %arg5[%add3A_134, %dma_start3A_137] : memref<4096x10000xf32, #tpu.memory_space<hbm>> -> memref<8x16xf32, #tpu.memory_space<hbm>>
    tpu.enqueue_dma source(%arg10 : memref<8x16xf32, #tpu.memory_space<vmem>>) target(%dma_start3A_138 : memref<8x16xf32, #tpu.memory_space<hbm>>) target_semaphore(%arg14 : memref<!tpu.dma_semaphore, #tpu.memory_space<semaphore_mem>>)
    %add3A_139 = arith.constant 120 : i32
    %add3A_140 = arith.addi %mul3A_2, %add3A_139 : i32
    %dma_wait3A_141 = arith.constant 5120 : i32
    %dma_wait3A_142 = tpu.memref_slice %arg5[%add3A_140, %dma_wait3A_141] : memref<4096x10000xf32, #tpu.memory_space<hbm>> -> memref<8x4864xf32, #tpu.memory_space<hbm>>
    %dma_wait3A_143 = arith.constant 5120 : i32
    %dma_wait3A_144 = tpu.memref_slice %arg5[%add3A_140, %dma_wait3A_143] : memref<4096x10000xf32, #tpu.memory_space<hbm>> -> memref<8x4864xf32, #tpu.memory_space<hbm>>
    tpu.wait_dma2 semaphore(%arg14 : memref<!tpu.dma_semaphore, #tpu.memory_space<semaphore_mem>>) src(%arg8 : memref<8x4864xf32, #tpu.memory_space<vmem>>) dst(%dma_wait3A_144 : memref<8x4864xf32, #tpu.memory_space<hbm>>)
    %add3A_145 = arith.constant 120 : i32
    %add3A_146 = arith.addi %mul3A_2, %add3A_145 : i32
    %dma_wait3A_147 = arith.constant 9984 : i32
    %dma_wait3A_148 = tpu.memref_slice %arg5[%add3A_146, %dma_wait3A_147] : memref<4096x10000xf32, #tpu.memory_space<hbm>> -> memref<8x16xf32, #tpu.memory_space<hbm>>
    %dma_wait3A_149 = arith.constant 9984 : i32
    %dma_wait3A_150 = tpu.memref_slice %arg5[%add3A_146, %dma_wait3A_149] : memref<4096x10000xf32, #tpu.memory_space<hbm>> -> memref<8x16xf32, #tpu.memory_space<hbm>>
    tpu.wait_dma2 semaphore(%arg14 : memref<!tpu.dma_semaphore, #tpu.memory_space<semaphore_mem>>) src(%arg10 : memref<8x16xf32, #tpu.memory_space<vmem>>) dst(%dma_wait3A_150 : memref<8x16xf32, #tpu.memory_space<hbm>>)
    %add3A_151 = arith.constant 120 : i32
    %add3A_152 = arith.addi %mul3A_2, %add3A_151 : i32
    %dma_wait3A_153 = arith.constant 0 : i32
    %dma_wait3A_154 = tpu.memref_slice %arg5[%add3A_152, %dma_wait3A_153] : memref<4096x10000xf32, #tpu.memory_space<hbm>> -> memref<8x5120xf32, #tpu.memory_space<hbm>>
    %dma_wait3A_155 = arith.constant 0 : i32
    %dma_wait3A_156 = tpu.memref_slice %arg5[%add3A_152, %dma_wait3A_155] : memref<4096x10000xf32, #tpu.memory_space<hbm>> -> memref<8x5120xf32, #tpu.memory_space<hbm>>
    tpu.wait_dma2 semaphore(%arg13 : memref<!tpu.dma_semaphore, #tpu.memory_space<semaphore_mem>>) src(%arg7 : memref<8x5120xf32, #tpu.memory_space<vmem>>) dst(%dma_wait3A_156 : memref<8x5120xf32, #tpu.memory_space<hbm>>)
    return
  }
}

</mosaic_0001>

<sc_bundles>
// kernel: kernel.3.cloned.1.call-start
scs
__scs_entry_jumppad:
0x0: {  	(pc) =	sbr.rel $0x88, $3  }
0x1: {  	(tag) =	ssettag $0x0;
	lr =	simm.s32 $0x1  }
0x2: {  	[smem:$0x3F9F] =	sst lr;
	_ =	strace $0xD0000000  }
0x3: {  	_ = 	snop  }
0x4: {  	_ = 	snop  }
0x5: {  	_ = 	snop  }
0x6: {  	_ = 	snop  }
0x7: {  	_ = 	snop  }
__scs_overlays_trampoline_lowered:
0x8: {  	[smem:$0x3FAE] =	sst s0  }
0x9: {  	[smem:$0x3FAF] =	sst s1  }
0xa: {  	[smem:$0x3FB0] =	sst s2  }
0xb: {  	[smem:$0x3FB1] =	sst s3  }
0xc: {  	[smem:$0x3FB2] =	sst s4  }
0xd: {  	[smem:$0x3FB3] =	sst s5  }
0xe: {  	[smem:$0x3FB4] =	sst s6  }
0xf: {  	[smem:$0x3FB5] =	sst s7  }
0x10: {  	[smem:$0x3FB6] =	sst s8  }
0x11: {  	[smem:$0x3FB7] =	sst s9;
	s0 =	simm.s32 @!p0 $0x0  }
0x12: {  	s1 =	sld [smem:$0x3F9D];
	s0 =	simm.s32 @p0 $0x1  }
0x13: {  	[smem:$0x3FB8] =	sst s0;
	s0 =	simm.s32 @!p1 $0x0  }
0x14: {  	s2 =	sld [smem:$0x3F9C];
	s0 =	simm.s32 @p1 $0x1  }
0x15: {  	[smem:$0x3FB9] =	sst s0;
	s0 =	simm.s32 @!p2 $0x0  }
0x16: {  	s3 =	sld [smem:$0x3FDB];
	s0 =	simm.s32 @p2 $0x1  }
0x17: {  	s4 =	simm.s32 $0x1BF5;
	[smem:$0x3FBB] =	sst s0  }
0x18: {  	s0 =	sld [smem:$0x3F9E];
	_ =	swait.ge [sflag:s4], $0x0  }
0x19: {  	s7 =	sld [smem:$0x3F9F]  }
0x1a: {  	s8 =	sadd.s32 $0xFFFFE003, lr  }
0x1b: {  	s9 =	sadd.s32 $0xFFFFFEF7, lr;
	s5 =	simm.s32 $0xFFFFFFFF;
	p2 =	slt.u32 s8, $0xFFFFF086  }
0x1c: {  	p1 =	slt.u32 s9, $0xF7A;
	s5 =	simm.s32 @!p2 $0x0  }
0x1d: {  	s5 =	simm.s32 @p1 $0x1;
	p0 =	seq.s32 s7, s2  }
0x1e: {  	s7 =	smul.u32 @!p0 $0xF7A, s2;
	p2 =	seq.s32 @!p0 s5, $0x0  }
0x1f: {  	s9 =	smul.u32 $0xF7A, s1;
	s8 =	simm.s32 @!p0 $0x1BF5;
	p2 =	por !p2, p0  }
0x20: {  	[sflag:s8] =	ssyncset.s32 @!p0 $0xFFFFF086;
	s6 =	sadd.s32 @!p0 s3, s7;
	s7 =	simm.s32 @!p0 $0x108  }
0x21: {  	s3 =	sadd.s32 s3, s9;
	s6 =	sadd.s32 @!p0 $0x88, s6;
	s7 =	simm.s32 @p2 $0x1082  }
0x22: {  	[simem:s7], [sflag:s8] =	dma.local @!p0 [hbm:s6], $0xF7A  }
0x23: {  	s9 =	sor.u32 $0xD0000000, s2;
	s6 =	simm.s32 $0x108;
	_ =	swait.ge @!p0 [sflag:s8], $0x0  }
0x24: {  	s3 =	sadd.s32 $0x88, s3;
	s6 =	simm.s32 @!p1 $0x1082;
	[sflag:s4] =	ssyncset.s32 $0xFFFFF086  }
0x25: {  	[simem:s6], [sflag:s4] =	dma.local [hbm:s3], $0xF7A  }
0x26: {  	[smem:$0x3F9F] =	sst s1;
	(tag) =	ssettag s2;
	_ =	strace s9  }
0x27: {  	s1 =	sld [smem:$0x3FAF]  }
0x28: {  	s2 =	sld [smem:$0x3FB0]  }
0x29: {  	s4 =	sld [smem:$0x3FB2]  }
0x2a: {  	p0 =	seq.s32 s5, $0x0;
	s5 =	sld [smem:$0x3FB3]  }
0x2b: {  	s6 =	sld [smem:$0x3FB4]  }
0x2c: {  	s7 =	sld [smem:$0x3FB5]  }
0x2d: {  	s3 =	simm.s32 $0x108;
	s8 =	sld [smem:$0x3FB6]  }
0x2e: {  	s3 =	simm.s32 @!p0 $0x1082;
	s9 =	sld [smem:$0x3FB7]  }
0x2f: {  	lr =	sadd.s32 s0, s3;
	s0 =	sld [smem:$0x3FAE]  }
0x30: {  	s3 =	sld [smem:$0x3FB1]  }
0x31: {  	[smem:$0x3FBA] =	sst s10  }
0x32: {  	s10 =	sld [smem:$0x3FB8];
	_ =	sdelay $0x3  }
0x33: {  	p0 =	seq.s32 s10, $0x1;
	s10 =	sld [smem:$0x3FBA];
	_ =	sdelay $0x3  }
0x34: {  	[smem:$0x3FBA] =	sst s10  }
0x35: {  	s10 =	sld [smem:$0x3FB9];
	_ =	sdelay $0x3  }
0x36: {  	p1 =	seq.s32 s10, $0x1;
	s10 =	sld [smem:$0x3FBA];
	_ =	sdelay $0x3  }
0x37: {  	[smem:$0x3FBA] =	sst s10  }
0x38: {  	s10 =	sld [smem:$0x3FBB]  }
0x39: {  	_ = 	snop;
	(pc) =	sbr.ind lr, $3  }
0x3a: {  	_ = 	snop  }
0x3b: {  	_ = 	snop  }
0x3c: {  	p2 =	seq.s32 s10, $0x1;
	s10 =	sld [smem:$0x3FBA]  }
0x3d: {  	_ =	shalt  }
0x3e: {  	_ =	shalt  }
0x3f: {  	_ =	shalt  }
0x40: {  	_ =	shalt  }
0x41: {  	_ =	shalt  }
0x42: {  	_ =	shalt  }
0x43: {  	_ =	shalt  }
0x44: {  	_ =	shalt  }
0x45: {  	_ =	shalt  }
0x46: {  	_ =	shalt  }
0x47: {  	_ =	shalt  }
0x48: {  	_ =	shalt  }
0x49: {  	_ =	shalt  }
0x4a: {  	_ =	shalt  }
0x4b: {  	_ =	shalt  }
0x4c: {  	_ =	shalt  }
0x4d: {  	_ =	shalt  }
0x4e: {  	_ =	shalt  }
0x4f: {  	_ =	shalt  }
0x50: {  	_ =	shalt  }
0x51: {  	_ =	shalt  }
0x52: {  	_ =	shalt  }
0x53: {  	_ =	shalt  }
0x54: {  	_ =	shalt  }
0x55: {  	_ =	shalt  }
0x56: {  	_ =	shalt  }
0x57: {  	_ =	shalt  }
0x58: {  	_ =	shalt  }
0x59: {  	_ =	shalt  }
0x5a: {  	_ =	shalt  }
0x5b: {  	_ =	shalt  }
0x5c: {  	_ =	shalt  }
0x5d: {  	_ =	shalt  }
0x5e: {  	_ =	shalt  }
0x5f: {  	_ =	shalt  }
0x60: {  	_ =	shalt  }
0x61: {  	_ =	shalt  }
0x62: {  	_ =	shalt  }
0x63: {  	_ =	shalt  }
0x64: {  	_ =	shalt  }
0x65: {  	_ =	shalt  }
0x66: {  	_ =	shalt  }
0x67: {  	_ =	shalt  }
0x68: {  	_ =	shalt  }
0x69: {  	_ =	shalt  }
0x6a: {  	_ =	shalt  }
0x6b: {  	_ =	shalt  }
0x6c: {  	_ =	shalt  }
0x6d: {  	_ =	shalt  }
0x6e: {  	_ =	shalt  }
0x6f: {  	_ =	shalt  }
0x70: {  	_ =	shalt  }
0x71: {  	_ =	shalt  }
0x72: {  	_ =	shalt  }
0x73: {  	_ =	shalt  }
0x74: {  	_ =	shalt  }
0x75: {  	_ =	shalt  }
0x76: {  	_ =	shalt  }
0x77: {  	_ =	shalt  }
0x78: {  	_ =	shalt  }
0x79: {  	_ =	shalt  }
0x7a: {  	_ =	shalt  }
0x7b: {  	_ =	shalt  }
0x7c: {  	_ =	shalt  }
0x7d: {  	_ =	shalt  }
0x7e: {  	_ =	shalt  }
0x7f: {  	_ =	shalt  }
0x80: {  	_ =	shalt  }
0x81: {  	_ =	shalt  }
0x82: {  	_ =	shalt  }
0x83: {  	_ =	shalt  }
0x84: {  	_ =	shalt  }
0x85: {  	_ =	shalt  }
0x86: {  	_ =	shalt  }
0x87: {  	_ =	shalt  }
.Lfunc_end0:
.L_simem_size_0:
called_computation_lowered:
.L_overlay_start_0:
0x88: {  	s2 =	sld [smem:$0x3FD9]  }
0x89: {  	s3 =	sld [smem:$0x3FFE];
	_ =	sdelay $0x1  }
0x8a: {  	s1 =	srdreg.scid  }
0x8b: {  	s0 =	sand.u32 $0x1, s1  }
0x8c: {  	s17 =	sshll.u32 s0, $0xA;
	s2 =	sadd.s32 s3, s2  }
0x8d: {  	s2 =	sadd.s32 s2, s17  }
0x8e: {  	[smem:$0x3FC6] =	sst s2  }
0x8f: {  	_ = 	snop  }
0x90: {  	s2 =	sld [smem:$0x3FC9]  }
0x91: {  	s18 =	sld [smem:$0x3FC8]  }
0x92: {  	s4 =	sld [smem:$0x3FD0];
	(tm) =	ssettm $0x1  }
0x93: {  	s5 =	sld [smem:$0x3FFB];
	_ =	sdelay $0x3  }
0x94: {  	_ =	strace s5  }
0x95: {  	s5 =	sld [smem:$0x3FFC];
	_ =	sdelay $0x3  }
0x96: {  	_ =	strace s5  }
0x97: {  	s5 =	sld [smem:$0x3FFD];
	_ =	sdelay $0x3  }
0x98: {  	_ =	strace s5  }
0x99: {  	_ =	strace $0x8FFFFFFF  }
0x9a: {  	s19 =	sld [smem:$0x3FDB];
	_ =	sdelay $0x1  }
0x9b: {  	s6 =	simm.s32 $_scs_section_size  }
0x9c: {  	s7 =	simm.s32 $_size__tile_overlayer_lowered;
	s8 =	simm.s32 $_tile_overlayer_lowered  }
0x9d: {  	s22 =	simm.s32 $0x1BFF;
	s21 =	sshll.u32 s8, $0x1;
	s5 =	sadd.s32 s6, s19  }
0x9e: {  	s9 =	simm.s32 $0x0;
	s20 =	sshll.u32 s7, $0x1;
	s7 =	sadd.s32 s21, s5  }
0x9f: {  	[timem:s9], [sflag:s22] =	dma.local [hbm:s7], s20  }
0xa0: {  	_ =	swait.ge [sflag:s22], s20  }
0xa1: {  	s6 =	ssub.s32 $0x0, s20;
	[sflag:s22] =	ssyncset.done $0x0  }
0xa2: {  	[sflag:s22] =	ssyncadd.s32 s6;
	_ =	sdelay $0x1  }
0xa3: {  	s23 =	simm.s32 $0x1B8B  }
0xa4: {  	_ =	swait.ge [sflag:s23], $0x1  }
0xa5: {  	[sflag:s23] =	ssyncset.done $0x0  }
0xa6: {  	s25 =	simm.s32 $0x1B8E;
	s24 =	sld [smem:$0x3FFE];
	[sflag:s23] =	ssyncadd.s32 $0xFFFFFFFF  }
0xa7: {  	s26 =	simm.s32 $execute0_lowered;
	[smem:$0x3FD2] =	sst s25  }
0xa8: {  	s7 =	sshll.u32 s26, $0x1;
	_ =	strace $0x80000046;
	[dreg:$0x1] =	wrdreg $0xFFFFFFFF  }
0xa9: {  	s28 =	simm.s32 $_size_execute0_lowered;
	s5 =	sadd.s32 s5, s7;
	[dreg:$0x0] =	wrdreg $0x0  }
0xaa: {  	s7 =	sshll.u32 s28, $0x1;
	[dreg:$0x2] =	wrdreg s5  }
0xab: {  	[dreg:$0x3] =	wrdreg s7  }
0xac: {  	[dreg:$0x4] =	wrdreg $0xC0  }
0xad: {  	_ =	task [dreg:s9], $0x5FFFF  }
0xae: {  	[dreg:$0x1] =	wrdreg $0xFFFFFFFF  }
0xaf: {  	[dreg:$0x0] =	wrdreg $0x60  }
0xb0: {  	[dreg:$0x2] =	wrdreg s18  }
0xb1: {  	[dreg:$0x3] =	wrdreg s4  }
0xb2: {  	[dreg:$0x4] =	wrdreg s2  }
0xb3: {  	[dreg:$0x5] =	wrdreg s24  }
0xb4: {  	[dreg:$0x6] =	wrdreg $0x9  }
0xb5: {  	_ =	task.clear_ibuf [dreg:s9], $0x7FFFF;
	_ =	strace $0x90000046  }
0xb6: {  	s29 =	simm.s32 $0x9;
	_ =	strace $0x80000048  }
0xb7: {  	_ =	swait.ge [sflag:s29], $0x1  }
0xb8: {  	[sflag:s29] =	ssyncadd.s32 $0xFFFFFFFF  }
0xb9: {  	_ =	strace $0x90000048  }
0xba: {  	_ =	sfence  }
0xbb: {  	s30 =	sld [smem:$0x0];
	_ =	sdelay $0x2  }
0xbc: {  	s31 =	sshll.u32 s1, $0xD;
	s1 =	sshrl.u32 s1, $0x2  }
0xbd: {  	s3 =	sand.u32 $0x4000, s31;
	s1 =	sadd.s32 s1, s30  }
0xbe: {  	s0 =	sor.u32 s3, s0;
	s1 =	sshll.u32 s1, $0x11  }
0xbf: {  	s0 =	sor.u32 s1, s0  }
0xc0: {  	s0 =	sadd.s32 $0x8F2B, s0  }
0xc1: {  	[sflag:s0] =	ssyncadd.remote.s32 $0x1  }
0xc2: {  	_ =	sfence.sel $0xFFFF  }
0xc3: {  	[dreg:$0x0] =	wrdreg $0xFFFFFFFF;
	(pc) =	sbr.abs _section_cstart, $3  }
0xc4: {  	[dreg:$0x1] =	wrdreg $0xFFFFFFFF  }
0xc5: {  	_ =	task.clear_ibuf [dreg:s9], $0x2FFFF;
	_ =	strace $0x9FFFFFFF  }
0xc6: {  	(tm) =	ssettm $0x7FFFFFFF  }
0xc7: {  	_ =	shalt  }
tec
execute0_lowered:
.L_overlay_start_1:
0x0: {  	(tag) =	ssettag $0x1  }
0x1: {  	s18 =	rddreg [dreg:$0x0]  }
0x2: {  	s0 =	rddreg [dreg:$0x2]  }
0x3: {  	s1 =	rddreg [dreg:$0x3]  }
0x4: {  	s4 =	simm.s32 $0x0;
	s2 =	srdreg.scid;
	s8 =	stileid.u32  }
0x5: {  	s31 =	simm.s32 $0x4080;
	s28 =	simm.s32 $0x0;
	[smem:$0x7FF] =	sst s4  }
0x6: {  	s2 =	sand.u32 $0x1, s2;
	s5 =	sshll.u32 s8, $0x5;
	s1 =	sadd.s32 $0x400, s1  }
0x7: {  	s29 =	sadd.s32 $0x100, s18;
	s24 =	sadd.s32 $0x400, s18;
	s8 =	smul.u32 $0x278000, s8  }
0x8: {  	s11 =	sadd.s32 $0x900, s18;
	_ =	strace $0x80000047;
	[dreg:$0x19] =	wrdreg s29  }
0x9: {  	s25 =	sadd.s32 $0x600, s18;
	s12 =	sadd.s32 $0xA00, s18;
	[dreg:$0xe] =	wrdreg s11  }
0xa: {  	s10 =	sadd.s32 $0x800, s18;
	s13 =	sadd.s32 $0xB00, s18;
	[dreg:$0xf] =	wrdreg s12  }
0xb: {  	s14 =	sadd.s32 $0xC00, s18;
	s15 =	sadd.s32 $0xD00, s18;
	[dreg:$0x10] =	wrdreg s13  }
0xc: {  	s16 =	sadd.s32 $0xE00, s18;
	s17 =	sadd.s32 $0xF00, s18;
	[dreg:$0x11] =	wrdreg s14  }
0xd: {  	s30 =	sadd.s32 $0x1400, s18;
	s3 =	ssub.s32 $0x2, s2;
	[dreg:$0x12] =	wrdreg s15  }
0xe: {  	s6 =	sshll.u32 s2, $0x4;
	s2 =	smul.u32 $0x13C000, s2;
	[dreg:$0x13] =	wrdreg s16  }
0xf: {  	[dreg:$0x14] =	wrdreg s17;
	s7 =	sshrl.u32 s3, $0x1;
	s6 =	sor.u32 s6, s5  }
0x10: {  	s5 =	sadd.s32 $0x300, s18;
	s7 =	ssub.s32 s3, s7;
	s0 =	sadd.s32 s0, s6  }
0x11: {  	s3 =	sadd.s32 $0x200, s18;
	[dreg:$0x1a] =	wrdreg s5;
	s5 =	sadd.s32 $0x500, s18  }
0x12: {  	s19 =	smul.u32 $0x13C00, s6;
	s6 =	sadd.s32 $0x1000, s18;
	[dreg:$0x8] =	wrdreg s0  }
0x13: {  	[dreg:$0x1b] =	wrdreg s3;
	s3 =	sadd.s32 $0x700, s18;
	s0 =	sadd.s32 s2, s8  }
0x14: {  	s29 =	smax.u32 s7, $0x1;
	s7 =	sadd.s32 $0x1100, s18;
	[dreg:$0x15] =	wrdreg s6  }
0x15: {  	s8 =	sadd.s32 $0x1200, s18;
	s2 =	sshrl.u32 s0, $0x3;
	[dreg:$0xc] =	wrdreg s29  }
0x16: {  	s9 =	sadd.s32 $0xA000, s0;
	s21 =	sshrl.u32 s19, $0x3;
	[dreg:$0x16] =	wrdreg s7  }
0x17: {  	s0 =	sadd.s32 $0x13800, s0;
	[dreg:$0x17] =	wrdreg s8;
	s2 =	sadd.s32 s2, s1  }
0x18: {  	s20 =	sshrl.u32 s9, $0x3;
	s9 =	sadd.s32 $0x1300, s18;
	[dreg:$0x5] =	wrdreg s2  }
0x19: {  	s19 =	sadd.s32 s1, s21;
	s2 =	sadd.s32 s20, s1;
	[dreg:$0x18] =	wrdreg s9  }
0x1a: {  	s0 =	sshrl.u32 s0, $0x3;
	s22 =	sadd.s32 $0x25080, s19;
	[dreg:$0x6] =	wrdreg s2  }
0x1b: {  	s18 =	simm.s32 $0x1880;
	s0 =	sadd.s32 s0, s1;
	[dreg:$0x9] =	wrdreg s22  }
0x1c: {  	s21 =	simm.s32 $0x3080;
	s23 =	sadd.s32 $0x26480, s19;
	[dreg:$0x7] =	wrdreg s0  }
0x1d: {  	v0 =	vlaneseq.u32;
	s26 =	sadd.s32 $0x27780, s19;
	s19 =	simm.s32 $0x2080;
	[dreg:$0xa] =	wrdreg s23  }
0x1e: {  	v1 =	vshrl.u32 v0, $0x3;
	s20 =	simm.s32 $0x2880;
	s2 =	smov.u32 s10;
	[dreg:$0xb] =	wrdreg s26  }
0x1f: {  	vm0 =	vmmov $0xffff;
	v0 =	vand.u32 $0x7, v0;
	v1 =	vmul.u32 $0x8, v1;
	s26 =	simm.s32 $0x880;
	s10 =	simm.s32 $0x1080;
	s23 =	simm.s32 $0x3880  }
.LBB2_1:
0x20: {  	[dreg:$0xd] =	wrdreg s28  }
0x21: {  	s1 =	rddreg [dreg:$0x8];
	s0 =	simm.s32 $0x5  }
0x22: {  	[tilespmem:s4], [sflag:$0x5] =	stream.linear.gather [hbm4b:s1+s4], $0x80, $0x38;
	[tilespmem:$0x14080] =	vst v63  }
0x23: {  	_ =	swait.ge [sflag:s0], $0x80  }
0x24: {  	[sflag:s0] =	ssyncset.done $0x0  }
0x25: {  	[sflag:s0] =	ssyncadd.s32 $0xFFFFFF80  }
0x26: {  	v2 =	vld.msk [tilespmem:$0x0], $0xff;
	_ =	sdelay $0x4  }
0x27: {  	v3 =	vshrl.u32 v2, $0x3  }
0x28: {  	v3 =	vmul.u32 $0x278, v3  }
0x29: {  	v2 =	vand.u32 $0x7, v2  }
0x2a: {  	v2 =	vor.u32 v2, v3  }
0x2b: {  	v2 =	vperm.xlane v2, v0;
	_ =	sdelay $0x1  }
0x2c: {  	v2 =	vadd.s32 v1, v2;
	_ =	sdelay $0x3  }
0x2d: {  	s22 =	simm.s32 $0x80;
	s1 =	rddreg [dreg:$0x0]  }
0x2e: {  	[tilespmem:s22], [sflag:$0x1] =	stream.indirect_vreg.gather [hbm4b:s1+s4], $0x80, v2, vm0, $0xb8;
	[tilespmem:$0x14080] =	vst v63  }
0x2f: {  	s29 =	rddreg [dreg:$0x19]  }
0x30: {  	[tilespmem:s26], [sflag:$0x1] =	stream.indirect_vreg.gather [hbm4b:s29+s4], $0x80, v2, vm0, $0xb8;
	[tilespmem:$0x14080] =	vst v63  }
0x31: {  	s0 =	rddreg [dreg:$0x1b]  }
0x32: {  	[tilespmem:s10], [sflag:$0x1] =	stream.indirect_vreg.gather [hbm4b:s0+s4], $0x80, v2, vm0, $0xb8;
	[tilespmem:$0x14080] =	vst v63  }
0x33: {  	s0 =	rddreg [dreg:$0x1a]  }
0x34: {  	[tilespmem:s18], [sflag:$0x1] =	stream.indirect_vreg.gather [hbm4b:s0+s4], $0x80, v2, vm0, $0xb8;
	[tilespmem:$0x14080] =	vst v63  }
0x35: {  	_ = 	snop  }
0x36: {  	[tilespmem:s19], [sflag:$0x1] =	stream.indirect_vreg.gather [hbm4b:s24+s4], $0x80, v2, vm0, $0xb8;
	[tilespmem:$0x14080] =	vst v63  }
0x37: {  	_ = 	snop  }
0x38: {  	[tilespmem:s20], [sflag:$0x1] =	stream.indirect_vreg.gather [hbm4b:s5+s4], $0x80, v2, vm0, $0xb8;
	[tilespmem:$0x14080] =	vst v63  }
0x39: {  	_ = 	snop  }
0x3a: {  	[tilespmem:s21], [sflag:$0x1] =	stream.indirect_vreg.gather [hbm4b:s25+s4], $0x80, v2, vm0, $0xb8;
	[tilespmem:$0x14080] =	vst v63  }
0x3b: {  	_ = 	snop  }
0x3c: {  	[tilespmem:s23], [sflag:$0x1] =	stream.indirect_vreg.gather [hbm4b:s3+s4], $0x80, v2, vm0, $0xb8;
	[tilespmem:$0x14080] =	vst v63  }
0x3d: {  	_ = 	snop  }
0x3e: {  	[tilespmem:s31], [sflag:$0x1] =	stream.indirect_vreg.gather [hbm4b:s2+s4], $0x80, v2, vm0, $0xb8;
	[tilespmem:$0x14080] =	vst v63  }
0x3f: {  	s10 =	simm.s32 $0x4880  }
0x40: {  	[tilespmem:s10], [sflag:$0x1] =	stream.indirect_vreg.gather [hbm4b:s11+s4], $0x80, v2, vm0, $0xb8;
	[tilespmem:$0x14080] =	vst v63  }
0x41: {  	s11 =	simm.s32 $0x5080  }
0x42: {  	[tilespmem:s11], [sflag:$0x1] =	stream.indirect_vreg.gather [hbm4b:s12+s4], $0x80, v2, vm0, $0xb8;
	[tilespmem:$0x14080] =	vst v63  }
0x43: {  	s18 =	simm.s32 $0x5880  }
0x44: {  	[tilespmem:s18], [sflag:$0x1] =	stream.indirect_vreg.gather [hbm4b:s13+s4], $0x80, v2, vm0, $0xb8;
	[tilespmem:$0x14080] =	vst v63  }
0x45: {  	s19 =	simm.s32 $0x6080  }
0x46: {  	[tilespmem:s19], [sflag:$0x1] =	stream.indirect_vreg.gather [hbm4b:s14+s4], $0x80, v2, vm0, $0xb8;
	[tilespmem:$0x14080] =	vst v63  }
0x47: {  	s20 =	simm.s32 $0x6880  }
0x48: {  	[tilespmem:s20], [sflag:$0x1] =	stream.indirect_vreg.gather [hbm4b:s15+s4], $0x80, v2, vm0, $0xb8;
	[tilespmem:$0x14080] =	vst v63  }
0x49: {  	s21 =	simm.s32 $0x7080  }
0x4a: {  	[tilespmem:s21], [sflag:$0x1] =	stream.indirect_vreg.gather [hbm4b:s16+s4], $0x80, v2, vm0, $0xb8;
	[tilespmem:$0x14080] =	vst v63  }
0x4b: {  	s22 =	simm.s32 $0x7880  }
0x4c: {  	[tilespmem:s22], [sflag:$0x1] =	stream.indirect_vreg.gather [hbm4b:s17+s4], $0x80, v2, vm0, $0xb8;
	[tilespmem:$0x14080] =	vst v63  }
0x4d: {  	s23 =	simm.s32 $0x8080  }
0x4e: {  	[tilespmem:s23], [sflag:$0x1] =	stream.indirect_vreg.gather [hbm4b:s6+s4], $0x80, v2, vm0, $0xb8;
	[tilespmem:$0x14080] =	vst v63  }
0x4f: {  	s26 =	simm.s32 $0x8880  }
0x50: {  	[tilespmem:s26], [sflag:$0x1] =	stream.indirect_vreg.gather [hbm4b:s7+s4], $0x80, v2, vm0, $0xb8;
	[tilespmem:$0x14080] =	vst v63  }
0x51: {  	s28 =	simm.s32 $0x9080  }
0x52: {  	[tilespmem:s28], [sflag:$0x1] =	stream.indirect_vreg.gather [hbm4b:s8+s4], $0x80, v2, vm0, $0xb8;
	[tilespmem:$0x14080] =	vst v63  }
0x53: {  	s29 =	simm.s32 $0x9880;
	s31 =	simm.s32 $0x0;
	s23 =	simm.s32 $0x0  }
0x54: {  	[tilespmem:s29], [sflag:$0x1] =	stream.indirect_vreg.gather [hbm4b:s9+s4], $0x80, v2, vm0, $0xb8;
	[tilespmem:$0x14080] =	vst v63  }
.LBB2_2:
0x55: {  	s6 =	simm.s32 $0x1  }
0x56: {  	_ =	swait.ge [sflag:s6], $0xA000  }
0x57: {  	s1 =	rddreg [dreg:$0x5];
	[sflag:s6] =	ssyncset.done $0x0  }
0x58: {  	s0 =	simm.s32 $0x80;
	[sflag:s6] =	ssyncadd.s32 $0xFFFF6000;
	s1 =	sadd.s32 s31, s1  }
0x59: {  	[hbm4b:s1+s4] =	stream.linear.scatter [tilespmem:s0], [sflag:$0x3], $0xA000, $0x38;
	[tilespmem:$0x14080] =	vst v63  }
0x5a: {  	v2 =	vld.msk [tilespmem:s23+$0x0], $0xff;
	_ =	sdelay $0x4  }
0x5b: {  	v3 =	vshrl.u32 v2, $0x3  }
0x5c: {  	v3 =	vmul.u32 $0x278, v3  }
0x5d: {  	v2 =	vand.u32 $0x7, v2  }
0x5e: {  	v2 =	vor.u32 v2, v3  }
0x5f: {  	v2 =	vperm.xlane v2, v0;
	_ =	sdelay $0x1  }
0x60: {  	v2 =	vadd.s32 v1, v2;
	_ =	sdelay $0x3  }
0x61: {  	s29 =	simm.s32 $0xA080  }
0x62: {  	[tilespmem:s29], [sflag:$0x2] =	stream.indirect_vreg.gather [hbm4b:s30+s4], $0x80, v2, vm0, $0xb8;
	[tilespmem:$0x14080] =	vst v63  }
0x63: {  	s28 =	sadd.s32 $0x100, s30;
	s0 =	simm.s32 $0xA880  }
0x64: {  	[tilespmem:s0], [sflag:$0x2] =	stream.indirect_vreg.gather [hbm4b:s28+s4], $0x80, v2, vm0, $0xb8;
	[tilespmem:$0x14080] =	vst v63  }
0x65: {  	s7 =	simm.s32 $0xB080;
	s1 =	sadd.s32 $0x200, s30  }
0x66: {  	[tilespmem:s7], [sflag:$0x2] =	stream.indirect_vreg.gather [hbm4b:s1+s4], $0x80, v2, vm0, $0xb8;
	[tilespmem:$0x14080] =	vst v63  }
0x67: {  	s8 =	simm.s32 $0xB880;
	s6 =	sadd.s32 $0x300, s30  }
0x68: {  	[tilespmem:s8], [sflag:$0x2] =	stream.indirect_vreg.gather [hbm4b:s6+s4], $0x80, v2, vm0, $0xb8;
	[tilespmem:$0x14080] =	vst v63  }
0x69: {  	s9 =	simm.s32 $0xC080;
	s7 =	sadd.s32 $0x400, s30  }
0x6a: {  	[tilespmem:s9], [sflag:$0x2] =	stream.indirect_vreg.gather [hbm4b:s7+s4], $0x80, v2, vm0, $0xb8;
	[tilespmem:$0x14080] =	vst v63  }
0x6b: {  	s10 =	simm.s32 $0xC880;
	s8 =	sadd.s32 $0x500, s30  }
0x6c: {  	[tilespmem:s10], [sflag:$0x2] =	stream.indirect_vreg.gather [hbm4b:s8+s4], $0x80, v2, vm0, $0xb8;
	[tilespmem:$0x14080] =	vst v63  }
0x6d: {  	s11 =	simm.s32 $0xD080;
	s9 =	sadd.s32 $0x600, s30  }
0x6e: {  	[tilespmem:s11], [sflag:$0x2] =	stream.indirect_vreg.gather [hbm4b:s9+s4], $0x80, v2, vm0, $0xb8;
	[tilespmem:$0x14080] =	vst v63  }
0x6f: {  	s12 =	simm.s32 $0xD880;
	s10 =	sadd.s32 $0x700, s30  }
0x70: {  	[tilespmem:s12], [sflag:$0x2] =	stream.indirect_vreg.gather [hbm4b:s10+s4], $0x80, v2, vm0, $0xb8;
	[tilespmem:$0x14080] =	vst v63  }
0x71: {  	s13 =	simm.s32 $0xE080;
	s11 =	sadd.s32 $0x800, s30  }
0x72: {  	[tilespmem:s13], [sflag:$0x2] =	stream.indirect_vreg.gather [hbm4b:s11+s4], $0x80, v2, vm0, $0xb8;
	[tilespmem:$0x14080] =	vst v63  }
0x73: {  	s14 =	simm.s32 $0xE880;
	s12 =	sadd.s32 $0x900, s30  }
0x74: {  	[tilespmem:s14], [sflag:$0x2] =	stream.indirect_vreg.gather [hbm4b:s12+s4], $0x80, v2, vm0, $0xb8;
	[tilespmem:$0x14080] =	vst v63  }
0x75: {  	s15 =	simm.s32 $0xF080;
	s13 =	sadd.s32 $0xA00, s30  }
0x76: {  	[tilespmem:s15], [sflag:$0x2] =	stream.indirect_vreg.gather [hbm4b:s13+s4], $0x80, v2, vm0, $0xb8;
	[tilespmem:$0x14080] =	vst v63  }
0x77: {  	s16 =	simm.s32 $0xF880;
	s14 =	sadd.s32 $0xB00, s30  }
0x78: {  	[tilespmem:s16], [sflag:$0x2] =	stream.indirect_vreg.gather [hbm4b:s14+s4], $0x80, v2, vm0, $0xb8;
	[tilespmem:$0x14080] =	vst v63  }
0x79: {  	s17 =	simm.s32 $0x10080;
	s15 =	sadd.s32 $0xC00, s30  }
0x7a: {  	[tilespmem:s17], [sflag:$0x2] =	stream.indirect_vreg.gather [hbm4b:s15+s4], $0x80, v2, vm0, $0xb8;
	[tilespmem:$0x14080] =	vst v63  }
0x7b: {  	s18 =	simm.s32 $0x10880;
	s16 =	sadd.s32 $0xD00, s30  }
0x7c: {  	[tilespmem:s18], [sflag:$0x2] =	stream.indirect_vreg.gather [hbm4b:s16+s4], $0x80, v2, vm0, $0xb8;
	[tilespmem:$0x14080] =	vst v63  }
0x7d: {  	s19 =	simm.s32 $0x11080;
	s17 =	sadd.s32 $0xE00, s30  }
0x7e: {  	[tilespmem:s19], [sflag:$0x2] =	stream.indirect_vreg.gather [hbm4b:s17+s4], $0x80, v2, vm0, $0xb8;
	[tilespmem:$0x14080] =	vst v63  }
0x7f: {  	s20 =	simm.s32 $0x11880;
	s18 =	sadd.s32 $0xF00, s30  }
0x80: {  	[tilespmem:s20], [sflag:$0x2] =	stream.indirect_vreg.gather [hbm4b:s18+s4], $0x80, v2, vm0, $0xb8;
	[tilespmem:$0x14080] =	vst v63  }
0x81: {  	s21 =	simm.s32 $0x12080;
	s19 =	sadd.s32 $0x1000, s30  }
0x82: {  	[tilespmem:s21], [sflag:$0x2] =	stream.indirect_vreg.gather [hbm4b:s19+s4], $0x80, v2, vm0, $0xb8;
	[tilespmem:$0x14080] =	vst v63  }
0x83: {  	s22 =	simm.s32 $0x12880;
	s20 =	sadd.s32 $0x1100, s30  }
0x84: {  	[tilespmem:s22], [sflag:$0x2] =	stream.indirect_vreg.gather [hbm4b:s20+s4], $0x80, v2, vm0, $0xb8;
	[tilespmem:$0x14080] =	vst v63  }
0x85: {  	s26 =	simm.s32 $0x13080;
	[dreg:$0x1c] =	wrdreg s28;
	s21 =	sadd.s32 $0x1200, s30  }
0x86: {  	[tilespmem:s26], [sflag:$0x2] =	stream.indirect_vreg.gather [hbm4b:s21+s4], $0x80, v2, vm0, $0xb8;
	[tilespmem:$0x14080] =	vst v63  }
0x87: {  	s28 =	rddreg [dreg:$0x1];
	s22 =	simm.s32 $0x8;
	s26 =	simm.s32 $0x13880  }
0x88: {  	[tilespmem:s26], [sflag:$0x2] =	stream.indirect.gather [hbm4b:s28+s22], $0x80, s23, s22, $0xb8;
	[tilespmem:$0x14080] =	vst v63  }
0x89: {  	s26 =	simm.s32 $0x2  }
0x8a: {  	_ =	swait.ge [sflag:s26], $0x9800  }
0x8b: {  	[sflag:s26] =	ssyncset.done $0x0  }
0x8c: {  	[sflag:s26] =	ssyncadd.s32 $0xFFFF6800  }
0x8d: {  	_ =	swait.ge [sflag:s26], $0x400  }
0x8e: {  	s0 =	smov.u32 s1;
	s1 =	rddreg [dreg:$0x6];
	[sflag:s26] =	ssyncset.done $0x0  }
0x8f: {  	[sflag:s26] =	ssyncadd.s32 $0xFFFFFC00;
	s26 =	sadd.s32 s31, s1  }
0x90: {  	[hbm4b:s26+s4] =	stream.linear.scatter [tilespmem:s29], [sflag:$0x4], $0x9800, $0x38;
	[tilespmem:$0x14080] =	vst v63  }
0x91: {  	v2 =	vld [tilespmem:$0x13880]  }
0x92: {  	v3 =	vld [tilespmem:$0x13900]  }
0x93: {  	v4 =	vld [tilespmem:$0x13980]  }
0x94: {  	v5 =	vld [tilespmem:$0x13A00]  }
0x95: {  	v6 =	vld [tilespmem:$0x13A80]  }
0x96: {  	v63 =	vld [tilespmem:$0x13C00];
	[tilespmem:$0x13C80] =	vst v2  }
0x97: {  	v2 =	vld [tilespmem:$0x13B00];
	[tilespmem:$0x13D00] =	vst v3  }
0x98: {  	v3 =	vld [tilespmem:$0x13B80];
	[tilespmem:$0x13D80] =	vst v4  }
0x99: {  	[tilespmem:$0x13E00] =	vst v5  }
0x9a: {  	s28 =	smov.u32 s2;
	[tilespmem:$0x13E80] =	vst v6  }
0x9b: {  	s2 =	smov.u32 s3;
	s3 =	smov.u32 s5;
	s5 =	rddreg [dreg:$0x7];
	[tilespmem:$0x14000] =	vst v63  }
0x9c: {  	s29 =	rddreg [dreg:$0x19];
	[tilespmem:$0x13F00] =	vst v2  }
0x9d: {  	s22 =	simm.s32 $0x13C80;
	s26 =	sadd.s32 s31, s5;
	s5 =	rddreg [dreg:$0x1a];
	[tilespmem:$0x13F80] =	vst v3  }
0x9e: {  	[hbm4b:s26+s4] =	stream.linear.scatter [tilespmem:s22], [sflag:$0x4], $0x400, $0x38;
	[tilespmem:$0x14080] =	vst v63  }
0x9f: {  	s1 =	simm.s32 $0x3;
	s26 =	rddreg [dreg:$0x0]  }
0xa0: {  	s22 =	rddreg [dreg:$0x1b];
	_ =	swait.ge [sflag:s1], $0xA000  }
0xa1: {  	[sflag:s1] =	ssyncset.done $0x0  }
0xa2: {  	[sflag:s1] =	ssyncadd.s32 $0xFFFF6000  }
0xa3: {  	v2 =	vld.msk [tilespmem:s23+$0x8], $0xff;
	_ =	sdelay $0x4  }
0xa4: {  	v3 =	vshrl.u32 v2, $0x3  }
0xa5: {  	v3 =	vmul.u32 $0x278, v3  }
0xa6: {  	v2 =	vand.u32 $0x7, v2  }
0xa7: {  	v2 =	vor.u32 v2, v3  }
0xa8: {  	v2 =	vperm.xlane v2, v0;
	_ =	sdelay $0x1  }
0xa9: {  	v2 =	vadd.s32 v1, v2;
	_ =	sdelay $0x3  }
0xaa: {  	s1 =	simm.s32 $0x80  }
0xab: {  	[tilespmem:s1], [sflag:$0x1] =	stream.indirect_vreg.gather [hbm4b:s26+s4], $0x80, v2, vm0, $0xb8;
	[tilespmem:$0x14080] =	vst v63  }
0xac: {  	s26 =	simm.s32 $0x880  }
0xad: {  	[tilespmem:s26], [sflag:$0x1] =	stream.indirect_vreg.gather [hbm4b:s29+s4], $0x80, v2, vm0, $0xb8;
	[tilespmem:$0x14080] =	vst v63  }
0xae: {  	s29 =	simm.s32 $0x1080  }
0xaf: {  	[tilespmem:s29], [sflag:$0x1] =	stream.indirect_vreg.gather [hbm4b:s22+s4], $0x80, v2, vm0, $0xb8;
	[tilespmem:$0x14080] =	vst v63  }
0xb0: {  	s29 =	simm.s32 $0x1880  }
0xb1: {  	[tilespmem:s29], [sflag:$0x1] =	stream.indirect_vreg.gather [hbm4b:s5+s4], $0x80, v2, vm0, $0xb8;
	[tilespmem:$0x14080] =	vst v63  }
0xb2: {  	s22 =	simm.s32 $0x2080  }
0xb3: {  	[tilespmem:s22], [sflag:$0x1] =	stream.indirect_vreg.gather [hbm4b:s24+s4], $0x80, v2, vm0, $0xb8;
	[tilespmem:$0x14080] =	vst v63  }
0xb4: {  	s29 =	simm.s32 $0x2880  }
0xb5: {  	[tilespmem:s29], [sflag:$0x1] =	stream.indirect_vreg.gather [hbm4b:s3+s4], $0x80, v2, vm0, $0xb8;
	[tilespmem:$0x14080] =	vst v63  }
0xb6: {  	s22 =	simm.s32 $0x3080  }
0xb7: {  	[tilespmem:s22], [sflag:$0x1] =	stream.indirect_vreg.gather [hbm4b:s25+s4], $0x80, v2, vm0, $0xb8;
	[tilespmem:$0x14080] =	vst v63  }
0xb8: {  	s29 =	simm.s32 $0x3880  }
0xb9: {  	[tilespmem:s29], [sflag:$0x1] =	stream.indirect_vreg.gather [hbm4b:s2+s4], $0x80, v2, vm0, $0xb8;
	[tilespmem:$0x14080] =	vst v63  }
0xba: {  	s5 =	smov.u32 s3;
	s3 =	smov.u32 s2;
	s22 =	simm.s32 $0x4080  }
0xbb: {  	[tilespmem:s22], [sflag:$0x1] =	stream.indirect_vreg.gather [hbm4b:s28+s4], $0x80, v2, vm0, $0xb8;
	[tilespmem:$0x14080] =	vst v63  }
0xbc: {  	s2 =	smov.u32 s28;
	s29 =	simm.s32 $0x4880;
	s28 =	rddreg [dreg:$0xe]  }
0xbd: {  	[tilespmem:s29], [sflag:$0x1] =	stream.indirect_vreg.gather [hbm4b:s28+s4], $0x80, v2, vm0, $0xb8;
	[tilespmem:$0x14080] =	vst v63  }
0xbe: {  	s28 =	rddreg [dreg:$0xf];
	s29 =	simm.s32 $0x5080  }
0xbf: {  	[tilespmem:s29], [sflag:$0x1] =	stream.indirect_vreg.gather [hbm4b:s28+s4], $0x80, v2, vm0, $0xb8;
	[tilespmem:$0x14080] =	vst v63  }
0xc0: {  	s28 =	rddreg [dreg:$0x10];
	s29 =	simm.s32 $0x5880  }
0xc1: {  	[tilespmem:s29], [sflag:$0x1] =	stream.indirect_vreg.gather [hbm4b:s28+s4], $0x80, v2, vm0, $0xb8;
	[tilespmem:$0x14080] =	vst v63  }
0xc2: {  	s28 =	rddreg [dreg:$0x11];
	s29 =	simm.s32 $0x6080  }
0xc3: {  	[tilespmem:s29], [sflag:$0x1] =	stream.indirect_vreg.gather [hbm4b:s28+s4], $0x80, v2, vm0, $0xb8;
	[tilespmem:$0x14080] =	vst v63  }
0xc4: {  	s28 =	rddreg [dreg:$0x12];
	s29 =	simm.s32 $0x6880  }
0xc5: {  	[tilespmem:s29], [sflag:$0x1] =	stream.indirect_vreg.gather [hbm4b:s28+s4], $0x80, v2, vm0, $0xb8;
	[tilespmem:$0x14080] =	vst v63  }
0xc6: {  	s28 =	rddreg [dreg:$0x13];
	s29 =	simm.s32 $0x7080  }
0xc7: {  	[tilespmem:s29], [sflag:$0x1] =	stream.indirect_vreg.gather [hbm4b:s28+s4], $0x80, v2, vm0, $0xb8;
	[tilespmem:$0x14080] =	vst v63  }
0xc8: {  	s28 =	rddreg [dreg:$0x14];
	s29 =	simm.s32 $0x7880  }
0xc9: {  	[tilespmem:s29], [sflag:$0x1] =	stream.indirect_vreg.gather [hbm4b:s28+s4], $0x80, v2, vm0, $0xb8;
	[tilespmem:$0x14080] =	vst v63  }
0xca: {  	s28 =	rddreg [dreg:$0x15];
	s29 =	simm.s32 $0x8080  }
0xcb: {  	[tilespmem:s29], [sflag:$0x1] =	stream.indirect_vreg.gather [hbm4b:s28+s4], $0x80, v2, vm0, $0xb8;
	[tilespmem:$0x14080] =	vst v63  }
0xcc: {  	s28 =	rddreg [dreg:$0x16];
	s29 =	simm.s32 $0x8880  }
0xcd: {  	[tilespmem:s29], [sflag:$0x1] =	stream.indirect_vreg.gather [hbm4b:s28+s4], $0x80, v2, vm0, $0xb8;
	[tilespmem:$0x14080] =	vst v63  }
0xce: {  	s28 =	rddreg [dreg:$0x17];
	s29 =	simm.s32 $0x9080  }
0xcf: {  	[tilespmem:s29], [sflag:$0x1] =	stream.indirect_vreg.gather [hbm4b:s28+s4], $0x80, v2, vm0, $0xb8;
	[tilespmem:$0x14080] =	vst v63  }
0xd0: {  	s22 =	rddreg [dreg:$0x18];
	s28 =	simm.s32 $0x9880;
	s29 =	simm.s32 $0x4  }
0xd1: {  	[tilespmem:s28], [sflag:$0x1] =	stream.indirect_vreg.gather [hbm4b:s22+s4], $0x80, v2, vm0, $0xb8;
	[tilespmem:$0x14080] =	vst v63  }
0xd2: {  	p0 =	sne.s32 s31, $0x22900;
	_ =	swait.ge [sflag:s29], $0x9800  }
.Ltmp0:
0xd3: {  	[sflag:s29] =	ssyncset.done $0x0;
	(pc) =	sbr.rel @p0 .LBB2_2-.Ltmp0, $4  }
0xd4: {  	[sflag:s29] =	ssyncadd.s32 $0xFFFF6800  }
0xd5: {  	_ =	swait.ge [sflag:s29], $0x400  }
0xd6: {  	[sflag:s29] =	ssyncset.done $0x0  }
0xd7: {  	s31 =	sadd.s32 $0x2780, s31;
	s23 =	sadd.s32 $0x8, s23;
	[sflag:s29] =	ssyncadd.s32 $0xFFFFFC00  }
0xd8: {  	s1 =	simm.s32 $0x1  }
0xd9: {  	_ =	swait.ge [sflag:s1], $0xA000  }
0xda: {  	[sflag:s1] =	ssyncset.done $0x0  }
0xdb: {  	s23 =	simm.s32 $0x80;
	s22 =	rddreg [dreg:$0x9];
	[sflag:s1] =	ssyncadd.s32 $0xFFFF6000  }
0xdc: {  	[hbm4b:s22+s4] =	stream.linear.scatter [tilespmem:s23], [sflag:$0x3], $0xA000, $0x38;
	[tilespmem:$0x14080] =	vst v63  }
0xdd: {  	v2 =	vld.msk [tilespmem:$0x78], $0xff;
	_ =	sdelay $0x4  }
0xde: {  	v3 =	vshrl.u32 v2, $0x3  }
0xdf: {  	v3 =	vmul.u32 $0x278, v3  }
0xe0: {  	v2 =	vand.u32 $0x7, v2  }
0xe1: {  	v2 =	vor.u32 v2, v3  }
0xe2: {  	v2 =	vperm.xlane v2, v0;
	_ =	sdelay $0x1  }
0xe3: {  	v2 =	vadd.s32 v1, v2;
	_ =	sdelay $0x3  }
0xe4: {  	s23 =	simm.s32 $0xA080  }
0xe5: {  	[tilespmem:s23], [sflag:$0x2] =	stream.indirect_vreg.gather [hbm4b:s30+s4], $0x80, v2, vm0, $0xb8;
	[tilespmem:$0x14080] =	vst v63  }
0xe6: {  	s29 =	simm.s32 $0xA880;
	s22 =	rddreg [dreg:$0x1c]  }
0xe7: {  	[tilespmem:s29], [sflag:$0x2] =	stream.indirect_vreg.gather [hbm4b:s22+s4], $0x80, v2, vm0, $0xb8;
	[tilespmem:$0x14080] =	vst v63  }
0xe8: {  	s29 =	simm.s32 $0xB080  }
0xe9: {  	[tilespmem:s29], [sflag:$0x2] =	stream.indirect_vreg.gather [hbm4b:s0+s4], $0x80, v2, vm0, $0xb8;
	[tilespmem:$0x14080] =	vst v63  }
0xea: {  	s0 =	simm.s32 $0xB880  }
0xeb: {  	[tilespmem:s0], [sflag:$0x2] =	stream.indirect_vreg.gather [hbm4b:s6+s4], $0x80, v2, vm0, $0xb8;
	[tilespmem:$0x14080] =	vst v63  }
0xec: {  	s6 =	simm.s32 $0xC080  }
0xed: {  	[tilespmem:s6], [sflag:$0x2] =	stream.indirect_vreg.gather [hbm4b:s7+s4], $0x80, v2, vm0, $0xb8;
	[tilespmem:$0x14080] =	vst v63  }
0xee: {  	s7 =	simm.s32 $0xC880  }
0xef: {  	[tilespmem:s7], [sflag:$0x2] =	stream.indirect_vreg.gather [hbm4b:s8+s4], $0x80, v2, vm0, $0xb8;
	[tilespmem:$0x14080] =	vst v63  }
0xf0: {  	s8 =	simm.s32 $0xD080  }
0xf1: {  	[tilespmem:s8], [sflag:$0x2] =	stream.indirect_vreg.gather [hbm4b:s9+s4], $0x80, v2, vm0, $0xb8;
	[tilespmem:$0x14080] =	vst v63  }
0xf2: {  	s9 =	simm.s32 $0xD880  }
0xf3: {  	[tilespmem:s9], [sflag:$0x2] =	stream.indirect_vreg.gather [hbm4b:s10+s4], $0x80, v2, vm0, $0xb8;
	[tilespmem:$0x14080] =	vst v63  }
0xf4: {  	s22 =	simm.s32 $0xE080  }
0xf5: {  	[tilespmem:s22], [sflag:$0x2] =	stream.indirect_vreg.gather [hbm4b:s11+s4], $0x80, v2, vm0, $0xb8;
	[tilespmem:$0x14080] =	vst v63  }
0xf6: {  	s29 =	simm.s32 $0xE880  }
0xf7: {  	[tilespmem:s29], [sflag:$0x2] =	stream.indirect_vreg.gather [hbm4b:s12+s4], $0x80, v2, vm0, $0xb8;
	[tilespmem:$0x14080] =	vst v63  }
0xf8: {  	s0 =	simm.s32 $0xF080  }
0xf9: {  	[tilespmem:s0], [sflag:$0x2] =	stream.indirect_vreg.gather [hbm4b:s13+s4], $0x80, v2, vm0, $0xb8;
	[tilespmem:$0x14080] =	vst v63  }
0xfa: {  	s6 =	simm.s32 $0xF880  }
0xfb: {  	[tilespmem:s6], [sflag:$0x2] =	stream.indirect_vreg.gather [hbm4b:s14+s4], $0x80, v2, vm0, $0xb8;
	[tilespmem:$0x14080] =	vst v63  }
0xfc: {  	s7 =	simm.s32 $0x10080  }
0xfd: {  	[tilespmem:s7], [sflag:$0x2] =	stream.indirect_vreg.gather [hbm4b:s15+s4], $0x80, v2, vm0, $0xb8;
	[tilespmem:$0x14080] =	vst v63  }
0xfe: {  	s8 =	simm.s32 $0x10880  }
0xff: {  	[tilespmem:s8], [sflag:$0x2] =	stream.indirect_vreg.gather [hbm4b:s16+s4], $0x80, v2, vm0, $0xb8;
	[tilespmem:$0x14080] =	vst v63  }
0x100: {  	s9 =	simm.s32 $0x11080  }
0x101: {  	[tilespmem:s9], [sflag:$0x2] =	stream.indirect_vreg.gather [hbm4b:s17+s4], $0x80, v2, vm0, $0xb8;
	[tilespmem:$0x14080] =	vst v63  }
0x102: {  	s10 =	simm.s32 $0x11880  }
0x103: {  	[tilespmem:s10], [sflag:$0x2] =	stream.indirect_vreg.gather [hbm4b:s18+s4], $0x80, v2, vm0, $0xb8;
	[tilespmem:$0x14080] =	vst v63  }
0x104: {  	s11 =	simm.s32 $0x12080  }
0x105: {  	[tilespmem:s11], [sflag:$0x2] =	stream.indirect_vreg.gather [hbm4b:s19+s4], $0x80, v2, vm0, $0xb8;
	[tilespmem:$0x14080] =	vst v63  }
0x106: {  	s12 =	simm.s32 $0x12880  }
0x107: {  	[tilespmem:s12], [sflag:$0x2] =	stream.indirect_vreg.gather [hbm4b:s20+s4], $0x80, v2, vm0, $0xb8;
	[tilespmem:$0x14080] =	vst v63  }
0x108: {  	s13 =	simm.s32 $0x13080;
	s14 =	rddreg [dreg:$0x1];
	s15 =	simm.s32 $0x78  }
0x109: {  	[tilespmem:s13], [sflag:$0x2] =	stream.indirect_vreg.gather [hbm4b:s21+s4], $0x80, v2, vm0, $0xb8;
	[tilespmem:$0x14080] =	vst v63  }
0x10a: {  	s16 =	simm.s32 $0x13880;
	s17 =	simm.s32 $0x8;
	s18 =	simm.s32 $0x2  }
0x10b: {  	[tilespmem:s16], [sflag:$0x2] =	stream.indirect.gather [hbm4b:s14+s17], $0x80, s15, s17, $0xb8;
	[tilespmem:$0x14080] =	vst v63  }
0x10c: {  	_ =	swait.ge [sflag:s18], $0x9800  }
0x10d: {  	[sflag:s18] =	ssyncset.done $0x0  }
0x10e: {  	[sflag:s18] =	ssyncadd.s32 $0xFFFF6800  }
0x10f: {  	_ =	swait.ge [sflag:s18], $0x400  }
0x110: {  	[sflag:s18] =	ssyncset.done $0x0  }
0x111: {  	s19 =	rddreg [dreg:$0xa];
	[sflag:s18] =	ssyncadd.s32 $0xFFFFFC00  }
0x112: {  	[hbm4b:s19+s4] =	stream.linear.scatter [tilespmem:s23], [sflag:$0x4], $0x9800, $0x38;
	[tilespmem:$0x14080] =	vst v63  }
0x113: {  	v2 =	vld [tilespmem:$0x13880]  }
0x114: {  	v3 =	vld [tilespmem:$0x13900]  }
0x115: {  	v4 =	vld [tilespmem:$0x13980]  }
0x116: {  	v5 =	vld [tilespmem:$0x13A00]  }
0x117: {  	v6 =	vld [tilespmem:$0x13A80]  }
0x118: {  	v63 =	vld [tilespmem:$0x13C00];
	[tilespmem:$0x13C80] =	vst v2  }
0x119: {  	v2 =	vld [tilespmem:$0x13B00];
	[tilespmem:$0x13D00] =	vst v3  }
0x11a: {  	v3 =	vld [tilespmem:$0x13B80];
	[tilespmem:$0x13D80] =	vst v4  }
0x11b: {  	[tilespmem:$0x13E00] =	vst v5  }
0x11c: {  	[tilespmem:$0x13E80] =	vst v6  }
0x11d: {  	[tilespmem:$0x14000] =	vst v63  }
0x11e: {  	[tilespmem:$0x13F00] =	vst v2  }
0x11f: {  	s22 =	simm.s32 $0x4;
	s21 =	simm.s32 $0x13C80;
	s20 =	rddreg [dreg:$0xb];
	[tilespmem:$0x13F80] =	vst v3  }
0x120: {  	[hbm4b:s20+s4] =	stream.linear.scatter [tilespmem:s21], [sflag:$0x4], $0x400, $0x38;
	[tilespmem:$0x14080] =	vst v63  }
0x121: {  	_ =	swait.ge [sflag:s22], $0x9800  }
0x122: {  	[sflag:s22] =	ssyncset.done $0x0  }
0x123: {  	[sflag:s22] =	ssyncadd.s32 $0xFFFF6800  }
0x124: {  	_ =	swait.ge [sflag:s22], $0x400  }
0x125: {  	[sflag:s22] =	ssyncset.done $0x0  }
0x126: {  	s23 =	simm.s32 $0x3;
	[sflag:s22] =	ssyncadd.s32 $0xFFFFFC00  }
0x127: {  	_ =	swait.ge [sflag:s23], $0xA000  }
0x128: {  	s28 =	rddreg [dreg:$0xd]  }
0x129: {  	s29 =	rddreg [dreg:$0xc]  }
0x12a: {  	s11 =	rddreg [dreg:$0xe]  }
0x12b: {  	s12 =	rddreg [dreg:$0xf]  }
0x12c: {  	s13 =	rddreg [dreg:$0x10]  }
0x12d: {  	s14 =	rddreg [dreg:$0x11]  }
0x12e: {  	s15 =	rddreg [dreg:$0x12];
	s28 =	sadd.s32 $0x1, s28  }
0x12f: {  	s16 =	rddreg [dreg:$0x13];
	p0 =	sne.s32 s28, s29  }
.Ltmp1:
0x130: {  	s31 =	simm.s32 $0x4080;
	s17 =	rddreg [dreg:$0x14];
	(pc) =	sbr.rel @p0 .LBB2_1-.Ltmp1, $4  }
0x131: {  	s10 =	simm.s32 $0x1080;
	s18 =	simm.s32 $0x1880;
	s6 =	rddreg [dreg:$0x15]  }
0x132: {  	s19 =	simm.s32 $0x2080;
	s20 =	simm.s32 $0x2880;
	s7 =	rddreg [dreg:$0x16]  }
0x133: {  	s21 =	simm.s32 $0x3080;
	[sflag:s23] =	ssyncset.done $0x0;
	s8 =	rddreg [dreg:$0x17]  }
0x134: {  	s9 =	rddreg [dreg:$0x18];
	[sflag:s23] =	ssyncadd.s32 $0xFFFF6000;
	s23 =	simm.s32 $0x3880  }
0x135: {  	_ =	sfence.sel $0x180000  }
0x136: {  	[bflag:$0x0] =	sbarrier.arrive $0xFFFF  }
0x137: {  	_ =	strace $0x90000047  }
0x138: {  	s0 =	stileid.u32;
	[bflag:$0x2] =	sbarrier.arrive $0xFFFF  }
0x139: {  	p0 =	sne.s32 s0, $0x0;
	s0 =	rddreg [dreg:$0x4]  }
0x13a: {  	s0 =	sadd.s32 @!p0 $0x100000, s0  }
0x13b: {  	[sflag:s0] =	ssyncadd.tile.s32 @!p0 $0x1;
	_ =	shalt  }
.Lfunc_end2:
_tile_overlayer_lowered:
.L_overlay_start_2:
0x13c: {  	(tag) =	ssettag $0x2  }
0x13d: {  	s0 =	rddreg [dreg:$0x0];
	s2 =	stileid.u32  }
0x13e: {  	s1 =	rddreg [dreg:$0x1];
	p0 =	sne.s32 s2, $0x0  }
0x13f: {  	s3 =	rddreg [dreg:$0x2];
	[bflag:$0x3] =	sbarrier.arrive $0xFFFF;
	s2 =	simm.s32 @!p0 $0x1C05  }
0x140: {  	[timem:s3], [sflag:s2] =	dma.local @!p0 [hbm:s0], s1  }
0x141: {  	s0 =	simm.s32 @!p0 $0x5  }
0x142: {  	_ =	swait.ge @!p0 [sflag:s0], s1  }
0x143: {  	s1 =	ssub.s32 @!p0 $0x0, s1;
	[sflag:s0] =	ssyncset.done @!p0 $0x0  }
0x144: {  	[sflag:s0] =	ssyncadd.s32 @!p0 s1  }
0x145: {  	[bflag:$0x3] =	sbarrier.arrive $0xFFFF  }
0x146: {  	_ =	shalt  }

</sc_bundles>
